<compile_context>
chip_gen: v7x
topology: tpu7x:2x2x1
jax: 0.10.2.dev20260603
libtpu: 0.0.44.dev20260713+nightly
codegen_flags: <defaults>
</compile_context>

<pallas_src>
import functools

import jax
import jax.numpy as jnp
from jax import lax
from jax.experimental import pallas as pl
from jax.experimental.pallas import tpu as pltpu
from jax.experimental.pallas import tpu_sc as plsc

B = 16384
D = 64
NC = 2
NS = 16
NW = NC * NS
BPW = B // NW
L = 16
CHR = 256
NCHK = BPW // CHR
NG = CHR // L

_mesh = plsc.VectorSubcoreMesh(core_axis_name="c", subcore_axis_name="s")


@functools.partial(
    pl.kernel,
    mesh=_mesh,
    out_type=(
        jax.ShapeDtypeStruct((B, D), jnp.float32),
        jax.ShapeDtypeStruct((B, D), jnp.float32),
    ),
    scratch_types=[
        pltpu.VMEM((BPW,), jnp.int32),
        pltpu.VMEM((BPW,), jnp.int32),
        pltpu.VMEM((CHR, D), jnp.float32),
        pltpu.VMEM((CHR, D), jnp.float32),
        pltpu.SemaphoreType.DMA,
        pltpu.SemaphoreType.DMA,
    ],
)
def _dual_gather(w_idx_hbm, c_idx_hbm, wt_hbm, ct_hbm, w_out, c_out,
                 widx_v, cidx_v, wrows_v, crows_v, sem_w, sem_c):
    wid = lax.axis_index("s") * NC + lax.axis_index("c")
    base = wid * BPW
    pltpu.sync_copy(w_idx_hbm.at[pl.ds(base, BPW)], widx_v)
    pltpu.sync_copy(c_idx_hbm.at[pl.ds(base, BPW)], cidx_v)

    def chunk(k, _):
        def fire(g, _):
            vw = widx_v[pl.ds(k * CHR + g * L, L)]
            vc = cidx_v[pl.ds(k * CHR + g * L, L)]
            for l in range(L):
                pltpu.async_copy(
                    wt_hbm.at[pl.ds(vw[l], 1)],
                    wrows_v.at[pl.ds(g * L + l, 1)], sem_w)
                pltpu.async_copy(
                    ct_hbm.at[pl.ds(vc[l], 1)],
                    crows_v.at[pl.ds(g * L + l, 1)], sem_c)
            return 0

        lax.fori_loop(0, NG, fire, 0)

        def drain(j, _):
            pltpu.make_async_copy(
                wt_hbm.at[pl.ds(0, 1)], wrows_v.at[pl.ds(0, 1)], sem_w).wait()
            pltpu.make_async_copy(
                ct_hbm.at[pl.ds(0, 1)], crows_v.at[pl.ds(0, 1)], sem_c).wait()
            return 0

        lax.fori_loop(0, CHR, drain, 0)

        pltpu.sync_copy(wrows_v, w_out.at[pl.ds(base + k * CHR, CHR)])
        pltpu.sync_copy(crows_v, c_out.at[pl.ds(base + k * CHR, CHR)])
        return 0

    lax.fori_loop(0, NCHK, chunk, 0)


def kernel(X, word_table, context_table):
    w = X[:, 0]
    c = X[:, 1]
    w_rows, c_rows = _dual_gather(w, c, word_table, context_table)
    return (w_rows[:, None, :], c_rows[:, None, :])

# --- scband reference (transcript-rebuilt; emitter-appended) ---
"""Pipeline reference for scband-fnn-3891240370478 (READ-ONLY COPY).

The authoritative reference and input builder live on the scoring server;
editing this copy changes nothing except your own understanding.
"""

import jax, jax.numpy as jnp
import numpy as np

VOCAB = 1000002  # len(data.vocab_ind) + 2 with vocab_ind of size 1,000,000
B = 16384
D = 64


def setup_inputs(seed: int = 0) -> dict:
    key = jax.random.key(seed)
    k1, k2, k3 = jax.random.split(key, 3)
    X = jax.random.randint(k1, (B, 2), 0, 1000000)
    word_table = jax.random.normal(k2, (VOCAB, D), dtype=jnp.float32) * 0.02
    context_table = jax.random.normal(k3, (VOCAB, D), dtype=jnp.float32) * 0.02
    return {"X": X, "word_table": word_table, "context_table": context_table}


def reference(X, word_table, context_table):
    # torch.tensor_split(X, 2, dim=1) on [B, 2] -> two [B, 1] tensors
    w = X[:, 0:1]
    c = X[:, 1:2]
    # nn.Embedding lookup -> [B, 1, D] each
    w_emb = jnp.take(word_table, w, axis=0)
    c_emb = jnp.take(context_table, c, axis=0)
    return (w_emb, c_emb)

if __name__ == "__main__":
    import jax
    _d = setup_inputs()
    print(jax.jit(kernel)(*tuple(_d.values())))

</pallas_src>

<mosaic_0001>
#map = affine_map<(d0, d1) -> (0)>
#map1 = affine_map<(d0, d1) -> (0, 0)>
module attributes {stable_mosaic.version = 14 : i64} {
  func.func @_dual_gather(%arg0: i32, %arg1: i32, %arg2: memref<16384xi32, #tpu.memory_space<hbm>>, %arg3: memref<16384xi32, #tpu.memory_space<hbm>>, %arg4: memref<1000002x64xf32, #tpu.memory_space<hbm>>, %arg5: memref<1000002x64xf32, #tpu.memory_space<hbm>>, %arg6: memref<16384x64xf32, #tpu.memory_space<hbm>>, %arg7: memref<16384x64xf32, #tpu.memory_space<hbm>>, %arg8: memref<512xi32, #tpu.memory_space<vmem>>, %arg9: memref<512xi32, #tpu.memory_space<vmem>>, %arg10: memref<256x64xf32, #tpu.memory_space<vmem>>, %arg11: memref<256x64xf32, #tpu.memory_space<vmem>>, %arg12: memref<!tpu.dma_semaphore, #tpu.memory_space<semaphore_mem>>, %arg13: memref<!tpu.dma_semaphore, #tpu.memory_space<semaphore_mem>>) attributes {dimension_semantics = [#tpu.dimension_semantics<core_parallel>, #tpu.dimension_semantics<subcore_parallel>], iteration_bounds = array<i64: 2, 16>, scalar_prefetch = 0 : i64, scratch_operands = 6 : i64, tpu.core_type = #tpu.core_type<sc_vector_subcore>, window_params = [{transform_indices = #map}, {transform_indices = #map}, {transform_indices = #map1}, {transform_indices = #map1}, {transform_indices = #map1}, {transform_indices = #map1}]} {
    %mul3A = arith.constant 2 : i32
    %mul3A_0 = arith.muli %arg1, %mul3A : i32
    %add3A = arith.addi %mul3A_0, %arg0 : i32
    %mul3A_1 = arith.constant 512 : i32
    %mul3A_2 = arith.muli %add3A, %mul3A_1 : i32
    "tpu.region"() ({
      %run_scoped3A = tpu.sem_alloc : memref<!tpu.dma_semaphore, #tpu.memory_space<semaphore_mem>>
      %dma_start3A = tpu.memref_slice %arg2[%mul3A_2] : memref<16384xi32, #tpu.memory_space<hbm>> -> memref<512xi32, #tpu.memory_space<hbm>>
      %dma_start3A_9 = tpu.memref_slice %arg2[%mul3A_2] : memref<16384xi32, #tpu.memory_space<hbm>> -> memref<512xi32, #tpu.memory_space<hbm>>
      tpu.enqueue_dma source(%dma_start3A_9 : memref<512xi32, #tpu.memory_space<hbm>>) target(%arg8 : memref<512xi32, #tpu.memory_space<vmem>>) target_semaphore(%run_scoped3A : memref<!tpu.dma_semaphore, #tpu.memory_space<semaphore_mem>>)
      %dma_wait3A = tpu.memref_slice %arg2[%mul3A_2] : memref<16384xi32, #tpu.memory_space<hbm>> -> memref<512xi32, #tpu.memory_space<hbm>>
      %dma_wait3A_10 = tpu.memref_slice %arg2[%mul3A_2] : memref<16384xi32, #tpu.memory_space<hbm>> -> memref<512xi32, #tpu.memory_space<hbm>>
      tpu.wait_dma2 semaphore(%run_scoped3A : memref<!tpu.dma_semaphore, #tpu.memory_space<semaphore_mem>>) src(%dma_wait3A_10 : memref<512xi32, #tpu.memory_space<hbm>>) dst(%arg8 : memref<512xi32, #tpu.memory_space<vmem>>)
      tpu.yield
    }) : () -> ()
    "tpu.region"() ({
      %run_scoped3A = tpu.sem_alloc : memref<!tpu.dma_semaphore, #tpu.memory_space<semaphore_mem>>
      %dma_start3A = tpu.memref_slice %arg3[%mul3A_2] : memref<16384xi32, #tpu.memory_space<hbm>> -> memref<512xi32, #tpu.memory_space<hbm>>
      %dma_start3A_9 = tpu.memref_slice %arg3[%mul3A_2] : memref<16384xi32, #tpu.memory_space<hbm>> -> memref<512xi32, #tpu.memory_space<hbm>>
      tpu.enqueue_dma source(%dma_start3A_9 : memref<512xi32, #tpu.memory_space<hbm>>) target(%arg9 : memref<512xi32, #tpu.memory_space<vmem>>) target_semaphore(%run_scoped3A : memref<!tpu.dma_semaphore, #tpu.memory_space<semaphore_mem>>)
      %dma_wait3A = tpu.memref_slice %arg3[%mul3A_2] : memref<16384xi32, #tpu.memory_space<hbm>> -> memref<512xi32, #tpu.memory_space<hbm>>
      %dma_wait3A_10 = tpu.memref_slice %arg3[%mul3A_2] : memref<16384xi32, #tpu.memory_space<hbm>> -> memref<512xi32, #tpu.memory_space<hbm>>
      tpu.wait_dma2 semaphore(%run_scoped3A : memref<!tpu.dma_semaphore, #tpu.memory_space<semaphore_mem>>) src(%dma_wait3A_10 : memref<512xi32, #tpu.memory_space<hbm>>) dst(%arg9 : memref<512xi32, #tpu.memory_space<vmem>>)
      tpu.yield
    }) : () -> ()
    %scan3A = arith.constant 0 : i32
    %scan3A_3 = arith.constant 0 : i32
    %scan3A_4 = arith.constant 2 : i32
    %scan3A_5 = arith.addi %scan3A_3, %scan3A_4 : i32
    %scan3A_6 = arith.constant 1 : i32
    %scan3A_7 = scf.for %scan3A_9 = %scan3A_3 to %scan3A_5 step %scan3A_6 iter_args(%scan3A_10 = %scan3A) -> (i32)  : i32 {
      %scan3A_11 = arith.constant 0 : i32
      %scan3A_12 = arith.constant 0 : i32
      %scan3A_13 = arith.constant 16 : i32
      %scan3A_14 = arith.addi %scan3A_12, %scan3A_13 : i32
      %scan3A_15 = arith.constant 1 : i32
      %scan3A_16 = scf.for %scan3A_32 = %scan3A_12 to %scan3A_14 step %scan3A_15 iter_args(%scan3A_33 = %scan3A_11) -> (i32)  : i32 {
        %mul3A_34 = arith.constant 256 : i32
        %mul3A_35 = arith.muli %scan3A_9, %mul3A_34 : i32
        %mul3A_36 = arith.constant 16 : i32
        %mul3A_37 = arith.muli %scan3A_32, %mul3A_36 : i32
        %add3A_38 = arith.addi %mul3A_35, %mul3A_37 : i32
        %get3A = arith.index_cast %add3A_38 : i32 to index
        %get3A_39 = tpu.vector_load %arg8[%get3A] {strides = array<i32>} : memref<512xi32, #tpu.memory_space<vmem>>, vector<16xi32>,
        %get3A_40 = vector.shape_cast %get3A_39 : vector<16xi32> to vector<16xi32>
        %mul3A_41 = arith.constant 256 : i32
        %mul3A_42 = arith.muli %scan3A_9, %mul3A_41 : i32
        %mul3A_43 = arith.constant 16 : i32
        %mul3A_44 = arith.muli %scan3A_32, %mul3A_43 : i32
        %add3A_45 = arith.addi %mul3A_42, %mul3A_44 : i32
        %get3A_46 = arith.index_cast %add3A_45 : i32 to index
        %get3A_47 = tpu.vector_load %arg9[%get3A_46] {strides = array<i32>} : memref<512xi32, #tpu.memory_space<vmem>>, vector<16xi32>,
        %get3A_48 = vector.shape_cast %get3A_47 : vector<16xi32> to vector<16xi32>
        %slice3A = vector.extract_strided_slice %get3A_40 {offsets = [0], sizes = [1], strides = [1]} : vector<16xi32> to vector<1xi32>
        %squeeze3A = vector.extract %slice3A[0] : i32 from vector<1xi32>
        %mul3A_49 = arith.constant 16 : i32
        %mul3A_50 = arith.muli %scan3A_32, %mul3A_49 : i32
        %add3A_51 = arith.constant 0 : i32
        %add3A_52 = arith.addi %mul3A_50, %add3A_51 : i32
        %dma_start3A = arith.constant 0 : i32
        %dma_start3A_53 = tpu.memref_slice %arg10[%add3A_52, %dma_start3A] : memref<256x64xf32, #tpu.memory_space<vmem>> -> memref<1x64xf32, #tpu.memory_space<vmem>>
        %dma_start3A_54 = arith.constant 0 : i32
        %dma_start3A_55 = tpu.memref_slice %arg4[%squeeze3A, %dma_start3A_54] : memref<1000002x64xf32, #tpu.memory_space<hbm>> -> memref<1x64xf32, #tpu.memory_space<hbm>>
        %dma_start3A_56 = arith.constant 0 : i32
        %dma_start3A_57 = tpu.memref_slice %arg10[%add3A_52, %dma_start3A_56] : memref<256x64xf32, #tpu.memory_space<vmem>> -> memref<1x64xf32, #tpu.memory_space<vmem>>
        %dma_start3A_58 = arith.constant 0 : i32
        %dma_start3A_59 = tpu.memref_slice %arg4[%squeeze3A, %dma_start3A_58] : memref<1000002x64xf32, #tpu.memory_space<hbm>> -> memref<1x64xf32, #tpu.memory_space<hbm>>
        tpu.enqueue_dma source(%dma_start3A_59 : memref<1x64xf32, #tpu.memory_space<hbm>>) target(%dma_start3A_57 : memref<1x64xf32, #tpu.memory_space<vmem>>) target_semaphore(%arg12 : memref<!tpu.dma_semaphore, #tpu.memory_space<semaphore_mem>>)
        %slice3A_60 = vector.extract_strided_slice %get3A_48 {offsets = [0], sizes = [1], strides = [1]} : vector<16xi32> to vector<1xi32>
        %squeeze3A_61 = vector.extract %slice3A_60[0] : i32 from vector<1xi32>
        %mul3A_62 = arith.constant 16 : i32
        %mul3A_63 = arith.muli %scan3A_32, %mul3A_62 : i32
        %add3A_64 = arith.constant 0 : i32
        %add3A_65 = arith.addi %mul3A_63, %add3A_64 : i32
        %dma_start3A_66 = arith.constant 0 : i32
        %dma_start3A_67 = tpu.memref_slice %arg11[%add3A_65, %dma_start3A_66] : memref<256x64xf32, #tpu.memory_space<vmem>> -> memref<1x64xf32, #tpu.memory_space<vmem>>
        %dma_start3A_68 = arith.constant 0 : i32
        %dma_start3A_69 = tpu.memref_slice %arg5[%squeeze3A_61, %dma_start3A_68] : memref<1000002x64xf32, #tpu.memory_space<hbm>> -> memref<1x64xf32, #tpu.memory_space<hbm>>
        %dma_start3A_70 = arith.constant 0 : i32
        %dma_start3A_71 = tpu.memref_slice %arg11[%add3A_65, %dma_start3A_70] : memref<256x64xf32, #tpu.memory_space<vmem>> -> memref<1x64xf32, #tpu.memory_space<vmem>>
        %dma_start3A_72 = arith.constant 0 : i32
        %dma_start3A_73 = tpu.memref_slice %arg5[%squeeze3A_61, %dma_start3A_72] : memref<1000002x64xf32, #tpu.memory_space<hbm>> -> memref<1x64xf32, #tpu.memory_space<hbm>>
        tpu.enqueue_dma source(%dma_start3A_73 : memref<1x64xf32, #tpu.memory_space<hbm>>) target(%dma_start3A_71 : memref<1x64xf32, #tpu.memory_space<vmem>>) target_semaphore(%arg13 : memref<!tpu.dma_semaphore, #tpu.memory_space<semaphore_mem>>)
        %slice3A_74 = vector.extract_strided_slice %get3A_40 {offsets = [1], sizes = [1], strides = [1]} : vector<16xi32> to vector<1xi32>
        %squeeze3A_75 = vector.extract %slice3A_74[0] : i32 from vector<1xi32>
        %mul3A_76 = arith.constant 16 : i32
        %mul3A_77 = arith.muli %scan3A_32, %mul3A_76 : i32
        %add3A_78 = arith.constant 1 : i32
        %add3A_79 = arith.addi %mul3A_77, %add3A_78 : i32
        %dma_start3A_80 = arith.constant 0 : i32
        %dma_start3A_81 = tpu.memref_slice %arg10[%add3A_79, %dma_start3A_80] : memref<256x64xf32, #tpu.memory_space<vmem>> -> memref<1x64xf32, #tpu.memory_space<vmem>>
        %dma_start3A_82 = arith.constant 0 : i32
        %dma_start3A_83 = tpu.memref_slice %arg4[%squeeze3A_75, %dma_start3A_82] : memref<1000002x64xf32, #tpu.memory_space<hbm>> -> memref<1x64xf32, #tpu.memory_space<hbm>>
        %dma_start3A_84 = arith.constant 0 : i32
        %dma_start3A_85 = tpu.memref_slice %arg10[%add3A_79, %dma_start3A_84] : memref<256x64xf32, #tpu.memory_space<vmem>> -> memref<1x64xf32, #tpu.memory_space<vmem>>
        %dma_start3A_86 = arith.constant 0 : i32
        %dma_start3A_87 = tpu.memref_slice %arg4[%squeeze3A_75, %dma_start3A_86] : memref<1000002x64xf32, #tpu.memory_space<hbm>> -> memref<1x64xf32, #tpu.memory_space<hbm>>
        tpu.enqueue_dma source(%dma_start3A_87 : memref<1x64xf32, #tpu.memory_space<hbm>>) target(%dma_start3A_85 : memref<1x64xf32, #tpu.memory_space<vmem>>) target_semaphore(%arg12 : memref<!tpu.dma_semaphore, #tpu.memory_space<semaphore_mem>>)
        %slice3A_88 = vector.extract_strided_slice %get3A_48 {offsets = [1], sizes = [1], strides = [1]} : vector<16xi32> to vector<1xi32>
        %squeeze3A_89 = vector.extract %slice3A_88[0] : i32 from vector<1xi32>
        %mul3A_90 = arith.constant 16 : i32
        %mul3A_91 = arith.muli %scan3A_32, %mul3A_90 : i32
        %add3A_92 = arith.constant 1 : i32
        %add3A_93 = arith.addi %mul3A_91, %add3A_92 : i32
        %dma_start3A_94 = arith.constant 0 : i32
        %dma_start3A_95 = tpu.memref_slice %arg11[%add3A_93, %dma_start3A_94] : memref<256x64xf32, #tpu.memory_space<vmem>> -> memref<1x64xf32, #tpu.memory_space<vmem>>
        %dma_start3A_96 = arith.constant 0 : i32
        %dma_start3A_97 = tpu.memref_slice %arg5[%squeeze3A_89, %dma_start3A_96] : memref<1000002x64xf32, #tpu.memory_space<hbm>> -> memref<1x64xf32, #tpu.memory_space<hbm>>
        %dma_start3A_98 = arith.constant 0 : i32
        %dma_start3A_99 = tpu.memref_slice %arg11[%add3A_93, %dma_start3A_98] : memref<256x64xf32, #tpu.memory_space<vmem>> -> memref<1x64xf32, #tpu.memory_space<vmem>>
        %dma_start3A_100 = arith.constant 0 : i32
        %dma_start3A_101 = tpu.memref_slice %arg5[%squeeze3A_89, %dma_start3A_100] : memref<1000002x64xf32, #tpu.memory_space<hbm>> -> memref<1x64xf32, #tpu.memory_space<hbm>>
        tpu.enqueue_dma source(%dma_start3A_101 : memref<1x64xf32, #tpu.memory_space<hbm>>) target(%dma_start3A_99 : memref<1x64xf32, #tpu.memory_space<vmem>>) target_semaphore(%arg13 : memref<!tpu.dma_semaphore, #tpu.memory_space<semaphore_mem>>)
        %slice3A_102 = vector.extract_strided_slice %get3A_40 {offsets = [2], sizes = [1], strides = [1]} : vector<16xi32> to vector<1xi32>
        %squeeze3A_103 = vector.extract %slice3A_102[0] : i32 from vector<1xi32>
        %mul3A_104 = arith.constant 16 : i32
        %mul3A_105 = arith.muli %scan3A_32, %mul3A_104 : i32
        %add3A_106 = arith.constant 2 : i32
        %add3A_107 = arith.addi %mul3A_105, %add3A_106 : i32
        %dma_start3A_108 = arith.constant 0 : i32
        %dma_start3A_109 = tpu.memref_slice %arg10[%add3A_107, %dma_start3A_108] : memref<256x64xf32, #tpu.memory_space<vmem>> -> memref<1x64xf32, #tpu.memory_space<vmem>>
        %dma_start3A_110 = arith.constant 0 : i32
        %dma_start3A_111 = tpu.memref_slice %arg4[%squeeze3A_103, %dma_start3A_110] : memref<1000002x64xf32, #tpu.memory_space<hbm>> -> memref<1x64xf32, #tpu.memory_space<hbm>>
        %dma_start3A_112 = arith.constant 0 : i32
        %dma_start3A_113 = tpu.memref_slice %arg10[%add3A_107, %dma_start3A_112] : memref<256x64xf32, #tpu.memory_space<vmem>> -> memref<1x64xf32, #tpu.memory_space<vmem>>
        %dma_start3A_114 = arith.constant 0 : i32
        %dma_start3A_115 = tpu.memref_slice %arg4[%squeeze3A_103, %dma_start3A_114] : memref<1000002x64xf32, #tpu.memory_space<hbm>> -> memref<1x64xf32, #tpu.memory_space<hbm>>
        tpu.enqueue_dma source(%dma_start3A_115 : memref<1x64xf32, #tpu.memory_space<hbm>>) target(%dma_start3A_113 : memref<1x64xf32, #tpu.memory_space<vmem>>) target_semaphore(%arg12 : memref<!tpu.dma_semaphore, #tpu.memory_space<semaphore_mem>>)
        %slice3A_116 = vector.extract_strided_slice %get3A_48 {offsets = [2], sizes = [1], strides = [1]} : vector<16xi32> to vector<1xi32>
        %squeeze3A_117 = vector.extract %slice3A_116[0] : i32 from vector<1xi32>
        %mul3A_118 = arith.constant 16 : i32
        %mul3A_119 = arith.muli %scan3A_32, %mul3A_118 : i32
        %add3A_120 = arith.constant 2 : i32
        %add3A_121 = arith.addi %mul3A_119, %add3A_120 : i32
        %dma_start3A_122 = arith.constant 0 : i32
        %dma_start3A_123 = tpu.memref_slice %arg11[%add3A_121, %dma_start3A_122] : memref<256x64xf32, #tpu.memory_space<vmem>> -> memref<1x64xf32, #tpu.memory_space<vmem>>
        %dma_start3A_124 = arith.constant 0 : i32
        %dma_start3A_125 = tpu.memref_slice %arg5[%squeeze3A_117, %dma_start3A_124] : memref<1000002x64xf32, #tpu.memory_space<hbm>> -> memref<1x64xf32, #tpu.memory_space<hbm>>
        %dma_start3A_126 = arith.constant 0 : i32
        %dma_start3A_127 = tpu.memref_slice %arg11[%add3A_121, %dma_start3A_126] : memref<256x64xf32, #tpu.memory_space<vmem>> -> memref<1x64xf32, #tpu.memory_space<vmem>>
        %dma_start3A_128 = arith.constant 0 : i32
        %dma_start3A_129 = tpu.memref_slice %arg5[%squeeze3A_117, %dma_start3A_128] : memref<1000002x64xf32, #tpu.memory_space<hbm>> -> memref<1x64xf32, #tpu.memory_space<hbm>>
        tpu.enqueue_dma source(%dma_start3A_129 : memref<1x64xf32, #tpu.memory_space<hbm>>) target(%dma_start3A_127 : memref<1x64xf32, #tpu.memory_space<vmem>>) target_semaphore(%arg13 : memref<!tpu.dma_semaphore, #tpu.memory_space<semaphore_mem>>)
        %slice3A_130 = vector.extract_strided_slice %get3A_40 {offsets = [3], sizes = [1], strides = [1]} : vector<16xi32> to vector<1xi32>
        %squeeze3A_131 = vector.extract %slice3A_130[0] : i32 from vector<1xi32>
        %mul3A_132 = arith.constant 16 : i32
        %mul3A_133 = arith.muli %scan3A_32, %mul3A_132 : i32
        %add3A_134 = arith.constant 3 : i32
        %add3A_135 = arith.addi %mul3A_133, %add3A_134 : i32
        %dma_start3A_136 = arith.constant 0 : i32
        %dma_start3A_137 = tpu.memref_slice %arg10[%add3A_135, %dma_start3A_136] : memref<256x64xf32, #tpu.memory_space<vmem>> -> memref<1x64xf32, #tpu.memory_space<vmem>>
        %dma_start3A_138 = arith.constant 0 : i32
        %dma_start3A_139 = tpu.memref_slice %arg4[%squeeze3A_131, %dma_start3A_138] : memref<1000002x64xf32, #tpu.memory_space<hbm>> -> memref<1x64xf32, #tpu.memory_space<hbm>>
        %dma_start3A_140 = arith.constant 0 : i32
        %dma_start3A_141 = tpu.memref_slice %arg10[%add3A_135, %dma_start3A_140] : memref<256x64xf32, #tpu.memory_space<vmem>> -> memref<1x64xf32, #tpu.memory_space<vmem>>
        %dma_start3A_142 = arith.constant 0 : i32
        %dma_start3A_143 = tpu.memref_slice %arg4[%squeeze3A_131, %dma_start3A_142] : memref<1000002x64xf32, #tpu.memory_space<hbm>> -> memref<1x64xf32, #tpu.memory_space<hbm>>
        tpu.enqueue_dma source(%dma_start3A_143 : memref<1x64xf32, #tpu.memory_space<hbm>>) target(%dma_start3A_141 : memref<1x64xf32, #tpu.memory_space<vmem>>) target_semaphore(%arg12 : memref<!tpu.dma_semaphore, #tpu.memory_space<semaphore_mem>>)
        %slice3A_144 = vector.extract_strided_slice %get3A_48 {offsets = [3], sizes = [1], strides = [1]} : vector<16xi32> to vector<1xi32>
        %squeeze3A_145 = vector.extract %slice3A_144[0] : i32 from vector<1xi32>
        %mul3A_146 = arith.constant 16 : i32
        %mul3A_147 = arith.muli %scan3A_32, %mul3A_146 : i32
        %add3A_148 = arith.constant 3 : i32
        %add3A_149 = arith.addi %mul3A_147, %add3A_148 : i32
        %dma_start3A_150 = arith.constant 0 : i32
        %dma_start3A_151 = tpu.memref_slice %arg11[%add3A_149, %dma_start3A_150] : memref<256x64xf32, #tpu.memory_space<vmem>> -> memref<1x64xf32, #tpu.memory_space<vmem>>
        %dma_start3A_152 = arith.constant 0 : i32
        %dma_start3A_153 = tpu.memref_slice %arg5[%squeeze3A_145, %dma_start3A_152] : memref<1000002x64xf32, #tpu.memory_space<hbm>> -> memref<1x64xf32, #tpu.memory_space<hbm>>
        %dma_start3A_154 = arith.constant 0 : i32
        %dma_start3A_155 = tpu.memref_slice %arg11[%add3A_149, %dma_start3A_154] : memref<256x64xf32, #tpu.memory_space<vmem>> -> memref<1x64xf32, #tpu.memory_space<vmem>>
        %dma_start3A_156 = arith.constant 0 : i32
        %dma_start3A_157 = tpu.memref_slice %arg5[%squeeze3A_145, %dma_start3A_156] : memref<1000002x64xf32, #tpu.memory_space<hbm>> -> memref<1x64xf32, #tpu.memory_space<hbm>>
        tpu.enqueue_dma source(%dma_start3A_157 : memref<1x64xf32, #tpu.memory_space<hbm>>) target(%dma_start3A_155 : memref<1x64xf32, #tpu.memory_space<vmem>>) target_semaphore(%arg13 : memref<!tpu.dma_semaphore, #tpu.memory_space<semaphore_mem>>)
        %slice3A_158 = vector.extract_strided_slice %get3A_40 {offsets = [4], sizes = [1], strides = [1]} : vector<16xi32> to vector<1xi32>
        %squeeze3A_159 = vector.extract %slice3A_158[0] : i32 from vector<1xi32>
        %mul3A_160 = arith.constant 16 : i32
        %mul3A_161 = arith.muli %scan3A_32, %mul3A_160 : i32
        %add3A_162 = arith.constant 4 : i32
        %add3A_163 = arith.addi %mul3A_161, %add3A_162 : i32
        %dma_start3A_164 = arith.constant 0 : i32
        %dma_start3A_165 = tpu.memref_slice %arg10[%add3A_163, %dma_start3A_164] : memref<256x64xf32, #tpu.memory_space<vmem>> -> memref<1x64xf32, #tpu.memory_space<vmem>>
        %dma_start3A_166 = arith.constant 0 : i32
        %dma_start3A_167 = tpu.memref_slice %arg4[%squeeze3A_159, %dma_start3A_166] : memref<1000002x64xf32, #tpu.memory_space<hbm>> -> memref<1x64xf32, #tpu.memory_space<hbm>>
        %dma_start3A_168 = arith.constant 0 : i32
        %dma_start3A_169 = tpu.memref_slice %arg10[%add3A_163, %dma_start3A_168] : memref<256x64xf32, #tpu.memory_space<vmem>> -> memref<1x64xf32, #tpu.memory_space<vmem>>
        %dma_start3A_170 = arith.constant 0 : i32
        %dma_start3A_171 = tpu.memref_slice %arg4[%squeeze3A_159, %dma_start3A_170] : memref<1000002x64xf32, #tpu.memory_space<hbm>> -> memref<1x64xf32, #tpu.memory_space<hbm>>
        tpu.enqueue_dma source(%dma_start3A_171 : memref<1x64xf32, #tpu.memory_space<hbm>>) target(%dma_start3A_169 : memref<1x64xf32, #tpu.memory_space<vmem>>) target_semaphore(%arg12 : memref<!tpu.dma_semaphore, #tpu.memory_space<semaphore_mem>>)
        %slice3A_172 = vector.extract_strided_slice %get3A_48 {offsets = [4], sizes = [1], strides = [1]} : vector<16xi32> to vector<1xi32>
        %squeeze3A_173 = vector.extract %slice3A_172[0] : i32 from vector<1xi32>
        %mul3A_174 = arith.constant 16 : i32
        %mul3A_175 = arith.muli %scan3A_32, %mul3A_174 : i32
        %add3A_176 = arith.constant 4 : i32
        %add3A_177 = arith.addi %mul3A_175, %add3A_176 : i32
        %dma_start3A_178 = arith.constant 0 : i32
        %dma_start3A_179 = tpu.memref_slice %arg11[%add3A_177, %dma_start3A_178] : memref<256x64xf32, #tpu.memory_space<vmem>> -> memref<1x64xf32, #tpu.memory_space<vmem>>
        %dma_start3A_180 = arith.constant 0 : i32
        %dma_start3A_181 = tpu.memref_slice %arg5[%squeeze3A_173, %dma_start3A_180] : memref<1000002x64xf32, #tpu.memory_space<hbm>> -> memref<1x64xf32, #tpu.memory_space<hbm>>
        %dma_start3A_182 = arith.constant 0 : i32
        %dma_start3A_183 = tpu.memref_slice %arg11[%add3A_177, %dma_start3A_182] : memref<256x64xf32, #tpu.memory_space<vmem>> -> memref<1x64xf32, #tpu.memory_space<vmem>>
        %dma_start3A_184 = arith.constant 0 : i32
        %dma_start3A_185 = tpu.memref_slice %arg5[%squeeze3A_173, %dma_start3A_184] : memref<1000002x64xf32, #tpu.memory_space<hbm>> -> memref<1x64xf32, #tpu.memory_space<hbm>>
        tpu.enqueue_dma source(%dma_start3A_185 : memref<1x64xf32, #tpu.memory_space<hbm>>) target(%dma_start3A_183 : memref<1x64xf32, #tpu.memory_space<vmem>>) target_semaphore(%arg13 : memref<!tpu.dma_semaphore, #tpu.memory_space<semaphore_mem>>)
        %slice3A_186 = vector.extract_strided_slice %get3A_40 {offsets = [5], sizes = [1], strides = [1]} : vector<16xi32> to vector<1xi32>
        %squeeze3A_187 = vector.extract %slice3A_186[0] : i32 from vector<1xi32>
        %mul3A_188 = arith.constant 16 : i32
        %mul3A_189 = arith.muli %scan3A_32, %mul3A_188 : i32
        %add3A_190 = arith.constant 5 : i32
        %add3A_191 = arith.addi %mul3A_189, %add3A_190 : i32
        %dma_start3A_192 = arith.constant 0 : i32
        %dma_start3A_193 = tpu.memref_slice %arg10[%add3A_191, %dma_start3A_192] : memref<256x64xf32, #tpu.memory_space<vmem>> -> memref<1x64xf32, #tpu.memory_space<vmem>>
        %dma_start3A_194 = arith.constant 0 : i32
        %dma_start3A_195 = tpu.memref_slice %arg4[%squeeze3A_187, %dma_start3A_194] : memref<1000002x64xf32, #tpu.memory_space<hbm>> -> memref<1x64xf32, #tpu.memory_space<hbm>>
        %dma_start3A_196 = arith.constant 0 : i32
        %dma_start3A_197 = tpu.memref_slice %arg10[%add3A_191, %dma_start3A_196] : memref<256x64xf32, #tpu.memory_space<vmem>> -> memref<1x64xf32, #tpu.memory_space<vmem>>
        %dma_start3A_198 = arith.constant 0 : i32
        %dma_start3A_199 = tpu.memref_slice %arg4[%squeeze3A_187, %dma_start3A_198] : memref<1000002x64xf32, #tpu.memory_space<hbm>> -> memref<1x64xf32, #tpu.memory_space<hbm>>
        tpu.enqueue_dma source(%dma_start3A_199 : memref<1x64xf32, #tpu.memory_space<hbm>>) target(%dma_start3A_197 : memref<1x64xf32, #tpu.memory_space<vmem>>) target_semaphore(%arg12 : memref<!tpu.dma_semaphore, #tpu.memory_space<semaphore_mem>>)
        %slice3A_200 = vector.extract_strided_slice %get3A_48 {offsets = [5], sizes = [1], strides = [1]} : vector<16xi32> to vector<1xi32>
        %squeeze3A_201 = vector.extract %slice3A_200[0] : i32 from vector<1xi32>
        %mul3A_202 = arith.constant 16 : i32
        %mul3A_203 = arith.muli %scan3A_32, %mul3A_202 : i32
        %add3A_204 = arith.constant 5 : i32
        %add3A_205 = arith.addi %mul3A_203, %add3A_204 : i32
        %dma_start3A_206 = arith.constant 0 : i32
        %dma_start3A_207 = tpu.memref_slice %arg11[%add3A_205, %dma_start3A_206] : memref<256x64xf32, #tpu.memory_space<vmem>> -> memref<1x64xf32, #tpu.memory_space<vmem>>
        %dma_start3A_208 = arith.constant 0 : i32
        %dma_start3A_209 = tpu.memref_slice %arg5[%squeeze3A_201, %dma_start3A_208] : memref<1000002x64xf32, #tpu.memory_space<hbm>> -> memref<1x64xf32, #tpu.memory_space<hbm>>
        %dma_start3A_210 = arith.constant 0 : i32
        %dma_start3A_211 = tpu.memref_slice %arg11[%add3A_205, %dma_start3A_210] : memref<256x64xf32, #tpu.memory_space<vmem>> -> memref<1x64xf32, #tpu.memory_space<vmem>>
        %dma_start3A_212 = arith.constant 0 : i32
        %dma_start3A_213 = tpu.memref_slice %arg5[%squeeze3A_201, %dma_start3A_212] : memref<1000002x64xf32, #tpu.memory_space<hbm>> -> memref<1x64xf32, #tpu.memory_space<hbm>>
        tpu.enqueue_dma source(%dma_start3A_213 : memref<1x64xf32, #tpu.memory_space<hbm>>) target(%dma_start3A_211 : memref<1x64xf32, #tpu.memory_space<vmem>>) target_semaphore(%arg13 : memref<!tpu.dma_semaphore, #tpu.memory_space<semaphore_mem>>)
        %slice3A_214 = vector.extract_strided_slice %get3A_40 {offsets = [6], sizes = [1], strides = [1]} : vector<16xi32> to vector<1xi32>
        %squeeze3A_215 = vector.extract %slice3A_214[0] : i32 from vector<1xi32>
        %mul3A_216 = arith.constant 16 : i32
        %mul3A_217 = arith.muli %scan3A_32, %mul3A_216 : i32
        %add3A_218 = arith.constant 6 : i32
        %add3A_219 = arith.addi %mul3A_217, %add3A_218 : i32
        %dma_start3A_220 = arith.constant 0 : i32
        %dma_start3A_221 = tpu.memref_slice %arg10[%add3A_219, %dma_start3A_220] : memref<256x64xf32, #tpu.memory_space<vmem>> -> memref<1x64xf32, #tpu.memory_space<vmem>>
        %dma_start3A_222 = arith.constant 0 : i32
        %dma_start3A_223 = tpu.memref_slice %arg4[%squeeze3A_215, %dma_start3A_222] : memref<1000002x64xf32, #tpu.memory_space<hbm>> -> memref<1x64xf32, #tpu.memory_space<hbm>>
        %dma_start3A_224 = arith.constant 0 : i32
        %dma_start3A_225 = tpu.memref_slice %arg10[%add3A_219, %dma_start3A_224] : memref<256x64xf32, #tpu.memory_space<vmem>> -> memref<1x64xf32, #tpu.memory_space<vmem>>
        %dma_start3A_226 = arith.constant 0 : i32
        %dma_start3A_227 = tpu.memref_slice %arg4[%squeeze3A_215, %dma_start3A_226] : memref<1000002x64xf32, #tpu.memory_space<hbm>> -> memref<1x64xf32, #tpu.memory_space<hbm>>
        tpu.enqueue_dma source(%dma_start3A_227 : memref<1x64xf32, #tpu.memory_space<hbm>>) target(%dma_start3A_225 : memref<1x64xf32, #tpu.memory_space<vmem>>) target_semaphore(%arg12 : memref<!tpu.dma_semaphore, #tpu.memory_space<semaphore_mem>>)
        %slice3A_228 = vector.extract_strided_slice %get3A_48 {offsets = [6], sizes = [1], strides = [1]} : vector<16xi32> to vector<1xi32>
        %squeeze3A_229 = vector.extract %slice3A_228[0] : i32 from vector<1xi32>
        %mul3A_230 = arith.constant 16 : i32
        %mul3A_231 = arith.muli %scan3A_32, %mul3A_230 : i32
        %add3A_232 = arith.constant 6 : i32
        %add3A_233 = arith.addi %mul3A_231, %add3A_232 : i32
        %dma_start3A_234 = arith.constant 0 : i32
        %dma_start3A_235 = tpu.memref_slice %arg11[%add3A_233, %dma_start3A_234] : memref<256x64xf32, #tpu.memory_space<vmem>> -> memref<1x64xf32, #tpu.memory_space<vmem>>
        %dma_start3A_236 = arith.constant 0 : i32
        %dma_start3A_237 = tpu.memref_slice %arg5[%squeeze3A_229, %dma_start3A_236] : memref<1000002x64xf32, #tpu.memory_space<hbm>> -> memref<1x64xf32, #tpu.memory_space<hbm>>
        %dma_start3A_238 = arith.constant 0 : i32
        %dma_start3A_239 = tpu.memref_slice %arg11[%add3A_233, %dma_start3A_238] : memref<256x64xf32, #tpu.memory_space<vmem>> -> memref<1x64xf32, #tpu.memory_space<vmem>>
        %dma_start3A_240 = arith.constant 0 : i32
        %dma_start3A_241 = tpu.memref_slice %arg5[%squeeze3A_229, %dma_start3A_240] : memref<1000002x64xf32, #tpu.memory_space<hbm>> -> memref<1x64xf32, #tpu.memory_space<hbm>>
        tpu.enqueue_dma source(%dma_start3A_241 : memref<1x64xf32, #tpu.memory_space<hbm>>) target(%dma_start3A_239 : memref<1x64xf32, #tpu.memory_space<vmem>>) target_semaphore(%arg13 : memref<!tpu.dma_semaphore, #tpu.memory_space<semaphore_mem>>)
        %slice3A_242 = vector.extract_strided_slice %get3A_40 {offsets = [7], sizes = [1], strides = [1]} : vector<16xi32> to vector<1xi32>
        %squeeze3A_243 = vector.extract %slice3A_242[0] : i32 from vector<1xi32>
        %mul3A_244 = arith.constant 16 : i32
        %mul3A_245 = arith.muli %scan3A_32, %mul3A_244 : i32
        %add3A_246 = arith.constant 7 : i32
        %add3A_247 = arith.addi %mul3A_245, %add3A_246 : i32
        %dma_start3A_248 = arith.constant 0 : i32
        %dma_start3A_249 = tpu.memref_slice %arg10[%add3A_247, %dma_start3A_248] : memref<256x64xf32, #tpu.memory_space<vmem>> -> memref<1x64xf32, #tpu.memory_space<vmem>>
        %dma_start3A_250 = arith.constant 0 : i32
        %dma_start3A_251 = tpu.memref_slice %arg4[%squeeze3A_243, %dma_start3A_250] : memref<1000002x64xf32, #tpu.memory_space<hbm>> -> memref<1x64xf32, #tpu.memory_space<hbm>>
        %dma_start3A_252 = arith.constant 0 : i32
        %dma_start3A_253 = tpu.memref_slice %arg10[%add3A_247, %dma_start3A_252] : memref<256x64xf32, #tpu.memory_space<vmem>> -> memref<1x64xf32, #tpu.memory_space<vmem>>
        %dma_start3A_254 = arith.constant 0 : i32
        %dma_start3A_255 = tpu.memref_slice %arg4[%squeeze3A_243, %dma_start3A_254] : memref<1000002x64xf32, #tpu.memory_space<hbm>> -> memref<1x64xf32, #tpu.memory_space<hbm>>
        tpu.enqueue_dma source(%dma_start3A_255 : memref<1x64xf32, #tpu.memory_space<hbm>>) target(%dma_start3A_253 : memref<1x64xf32, #tpu.memory_space<vmem>>) target_semaphore(%arg12 : memref<!tpu.dma_semaphore, #tpu.memory_space<semaphore_mem>>)
        %slice3A_256 = vector.extract_strided_slice %get3A_48 {offsets = [7], sizes = [1], strides = [1]} : vector<16xi32> to vector<1xi32>
        %squeeze3A_257 = vector.extract %slice3A_256[0] : i32 from vector<1xi32>
        %mul3A_258 = arith.constant 16 : i32
        %mul3A_259 = arith.muli %scan3A_32, %mul3A_258 : i32
        %add3A_260 = arith.constant 7 : i32
        %add3A_261 = arith.addi %mul3A_259, %add3A_260 : i32
        %dma_start3A_262 = arith.constant 0 : i32
        %dma_start3A_263 = tpu.memref_slice %arg11[%add3A_261, %dma_start3A_262] : memref<256x64xf32, #tpu.memory_space<vmem>> -> memref<1x64xf32, #tpu.memory_space<vmem>>
        %dma_start3A_264 = arith.constant 0 : i32
        %dma_start3A_265 = tpu.memref_slice %arg5[%squeeze3A_257, %dma_start3A_264] : memref<1000002x64xf32, #tpu.memory_space<hbm>> -> memref<1x64xf32, #tpu.memory_space<hbm>>
        %dma_start3A_266 = arith.constant 0 : i32
        %dma_start3A_267 = tpu.memref_slice %arg11[%add3A_261, %dma_start3A_266] : memref<256x64xf32, #tpu.memory_space<vmem>> -> memref<1x64xf32, #tpu.memory_space<vmem>>
        %dma_start3A_268 = arith.constant 0 : i32
        %dma_start3A_269 = tpu.memref_slice %arg5[%squeeze3A_257, %dma_start3A_268] : memref<1000002x64xf32, #tpu.memory_space<hbm>> -> memref<1x64xf32, #tpu.memory_space<hbm>>
        tpu.enqueue_dma source(%dma_start3A_269 : memref<1x64xf32, #tpu.memory_space<hbm>>) target(%dma_start3A_267 : memref<1x64xf32, #tpu.memory_space<vmem>>) target_semaphore(%arg13 : memref<!tpu.dma_semaphore, #tpu.memory_space<semaphore_mem>>)
        %slice3A_270 = vector.extract_strided_slice %get3A_40 {offsets = [8], sizes = [1], strides = [1]} : vector<16xi32> to vector<1xi32>
        %squeeze3A_271 = vector.extract %slice3A_270[0] : i32 from vector<1xi32>
        %mul3A_272 = arith.constant 16 : i32
        %mul3A_273 = arith.muli %scan3A_32, %mul3A_272 : i32
        %add3A_274 = arith.constant 8 : i32
        %add3A_275 = arith.addi %mul3A_273, %add3A_274 : i32
        %dma_start3A_276 = arith.constant 0 : i32
        %dma_start3A_277 = tpu.memref_slice %arg10[%add3A_275, %dma_start3A_276] : memref<256x64xf32, #tpu.memory_space<vmem>> -> memref<1x64xf32, #tpu.memory_space<vmem>>
        %dma_start3A_278 = arith.constant 0 : i32
        %dma_start3A_279 = tpu.memref_slice %arg4[%squeeze3A_271, %dma_start3A_278] : memref<1000002x64xf32, #tpu.memory_space<hbm>> -> memref<1x64xf32, #tpu.memory_space<hbm>>
        %dma_start3A_280 = arith.constant 0 : i32
        %dma_start3A_281 = tpu.memref_slice %arg10[%add3A_275, %dma_start3A_280] : memref<256x64xf32, #tpu.memory_space<vmem>> -> memref<1x64xf32, #tpu.memory_space<vmem>>
        %dma_start3A_282 = arith.constant 0 : i32
        %dma_start3A_283 = tpu.memref_slice %arg4[%squeeze3A_271, %dma_start3A_282] : memref<1000002x64xf32, #tpu.memory_space<hbm>> -> memref<1x64xf32, #tpu.memory_space<hbm>>
        tpu.enqueue_dma source(%dma_start3A_283 : memref<1x64xf32, #tpu.memory_space<hbm>>) target(%dma_start3A_281 : memref<1x64xf32, #tpu.memory_space<vmem>>) target_semaphore(%arg12 : memref<!tpu.dma_semaphore, #tpu.memory_space<semaphore_mem>>)
        %slice3A_284 = vector.extract_strided_slice %get3A_48 {offsets = [8], sizes = [1], strides = [1]} : vector<16xi32> to vector<1xi32>
        %squeeze3A_285 = vector.extract %slice3A_284[0] : i32 from vector<1xi32>
        %mul3A_286 = arith.constant 16 : i32
        %mul3A_287 = arith.muli %scan3A_32, %mul3A_286 : i32
        %add3A_288 = arith.constant 8 : i32
        %add3A_289 = arith.addi %mul3A_287, %add3A_288 : i32
        %dma_start3A_290 = arith.constant 0 : i32
        %dma_start3A_291 = tpu.memref_slice %arg11[%add3A_289, %dma_start3A_290] : memref<256x64xf32, #tpu.memory_space<vmem>> -> memref<1x64xf32, #tpu.memory_space<vmem>>
        %dma_start3A_292 = arith.constant 0 : i32
        %dma_start3A_293 = tpu.memref_slice %arg5[%squeeze3A_285, %dma_start3A_292] : memref<1000002x64xf32, #tpu.memory_space<hbm>> -> memref<1x64xf32, #tpu.memory_space<hbm>>
        %dma_start3A_294 = arith.constant 0 : i32
        %dma_start3A_295 = tpu.memref_slice %arg11[%add3A_289, %dma_start3A_294] : memref<256x64xf32, #tpu.memory_space<vmem>> -> memref<1x64xf32, #tpu.memory_space<vmem>>
        %dma_start3A_296 = arith.constant 0 : i32
        %dma_start3A_297 = tpu.memref_slice %arg5[%squeeze3A_285, %dma_start3A_296] : memref<1000002x64xf32, #tpu.memory_space<hbm>> -> memref<1x64xf32, #tpu.memory_space<hbm>>
        tpu.enqueue_dma source(%dma_start3A_297 : memref<1x64xf32, #tpu.memory_space<hbm>>) target(%dma_start3A_295 : memref<1x64xf32, #tpu.memory_space<vmem>>) target_semaphore(%arg13 : memref<!tpu.dma_semaphore, #tpu.memory_space<semaphore_mem>>)
        %slice3A_298 = vector.extract_strided_slice %get3A_40 {offsets = [9], sizes = [1], strides = [1]} : vector<16xi32> to vector<1xi32>
        %squeeze3A_299 = vector.extract %slice3A_298[0] : i32 from vector<1xi32>
        %mul3A_300 = arith.constant 16 : i32
        %mul3A_301 = arith.muli %scan3A_32, %mul3A_300 : i32
        %add3A_302 = arith.constant 9 : i32
        %add3A_303 = arith.addi %mul3A_301, %add3A_302 : i32
        %dma_start3A_304 = arith.constant 0 : i32
        %dma_start3A_305 = tpu.memref_slice %arg10[%add3A_303, %dma_start3A_304] : memref<256x64xf32, #tpu.memory_space<vmem>> -> memref<1x64xf32, #tpu.memory_space<vmem>>
        %dma_start3A_306 = arith.constant 0 : i32
        %dma_start3A_307 = tpu.memref_slice %arg4[%squeeze3A_299, %dma_start3A_306] : memref<1000002x64xf32, #tpu.memory_space<hbm>> -> memref<1x64xf32, #tpu.memory_space<hbm>>
        %dma_start3A_308 = arith.constant 0 : i32
        %dma_start3A_309 = tpu.memref_slice %arg10[%add3A_303, %dma_start3A_308] : memref<256x64xf32, #tpu.memory_space<vmem>> -> memref<1x64xf32, #tpu.memory_space<vmem>>
        %dma_start3A_310 = arith.constant 0 : i32
        %dma_start3A_311 = tpu.memref_slice %arg4[%squeeze3A_299, %dma_start3A_310] : memref<1000002x64xf32, #tpu.memory_space<hbm>> -> memref<1x64xf32, #tpu.memory_space<hbm>>
        tpu.enqueue_dma source(%dma_start3A_311 : memref<1x64xf32, #tpu.memory_space<hbm>>) target(%dma_start3A_309 : memref<1x64xf32, #tpu.memory_space<vmem>>) target_semaphore(%arg12 : memref<!tpu.dma_semaphore, #tpu.memory_space<semaphore_mem>>)
        %slice3A_312 = vector.extract_strided_slice %get3A_48 {offsets = [9], sizes = [1], strides = [1]} : vector<16xi32> to vector<1xi32>
        %squeeze3A_313 = vector.extract %slice3A_312[0] : i32 from vector<1xi32>
        %mul3A_314 = arith.constant 16 : i32
        %mul3A_315 = arith.muli %scan3A_32, %mul3A_314 : i32
        %add3A_316 = arith.constant 9 : i32
        %add3A_317 = arith.addi %mul3A_315, %add3A_316 : i32
        %dma_start3A_318 = arith.constant 0 : i32
        %dma_start3A_319 = tpu.memref_slice %arg11[%add3A_317, %dma_start3A_318] : memref<256x64xf32, #tpu.memory_space<vmem>> -> memref<1x64xf32, #tpu.memory_space<vmem>>
        %dma_start3A_320 = arith.constant 0 : i32
        %dma_start3A_321 = tpu.memref_slice %arg5[%squeeze3A_313, %dma_start3A_320] : memref<1000002x64xf32, #tpu.memory_space<hbm>> -> memref<1x64xf32, #tpu.memory_space<hbm>>
        %dma_start3A_322 = arith.constant 0 : i32
        %dma_start3A_323 = tpu.memref_slice %arg11[%add3A_317, %dma_start3A_322] : memref<256x64xf32, #tpu.memory_space<vmem>> -> memref<1x64xf32, #tpu.memory_space<vmem>>
        %dma_start3A_324 = arith.constant 0 : i32
        %dma_start3A_325 = tpu.memref_slice %arg5[%squeeze3A_313, %dma_start3A_324] : memref<1000002x64xf32, #tpu.memory_space<hbm>> -> memref<1x64xf32, #tpu.memory_space<hbm>>
        tpu.enqueue_dma source(%dma_start3A_325 : memref<1x64xf32, #tpu.memory_space<hbm>>) target(%dma_start3A_323 : memref<1x64xf32, #tpu.memory_space<vmem>>) target_semaphore(%arg13 : memref<!tpu.dma_semaphore, #tpu.memory_space<semaphore_mem>>)
        %slice3A_326 = vector.extract_strided_slice %get3A_40 {offsets = [10], sizes = [1], strides = [1]} : vector<16xi32> to vector<1xi32>
        %squeeze3A_327 = vector.extract %slice3A_326[0] : i32 from vector<1xi32>
        %mul3A_328 = arith.constant 16 : i32
        %mul3A_329 = arith.muli %scan3A_32, %mul3A_328 : i32
        %add3A_330 = arith.constant 10 : i32
        %add3A_331 = arith.addi %mul3A_329, %add3A_330 : i32
        %dma_start3A_332 = arith.constant 0 : i32
        %dma_start3A_333 = tpu.memref_slice %arg10[%add3A_331, %dma_start3A_332] : memref<256x64xf32, #tpu.memory_space<vmem>> -> memref<1x64xf32, #tpu.memory_space<vmem>>
        %dma_start3A_334 = arith.constant 0 : i32
        %dma_start3A_335 = tpu.memref_slice %arg4[%squeeze3A_327, %dma_start3A_334] : memref<1000002x64xf32, #tpu.memory_space<hbm>> -> memref<1x64xf32, #tpu.memory_space<hbm>>
        %dma_start3A_336 = arith.constant 0 : i32
        %dma_start3A_337 = tpu.memref_slice %arg10[%add3A_331, %dma_start3A_336] : memref<256x64xf32, #tpu.memory_space<vmem>> -> memref<1x64xf32, #tpu.memory_space<vmem>>
        %dma_start3A_338 = arith.constant 0 : i32
        %dma_start3A_339 = tpu.memref_slice %arg4[%squeeze3A_327, %dma_start3A_338] : memref<1000002x64xf32, #tpu.memory_space<hbm>> -> memref<1x64xf32, #tpu.memory_space<hbm>>
        tpu.enqueue_dma source(%dma_start3A_339 : memref<1x64xf32, #tpu.memory_space<hbm>>) target(%dma_start3A_337 : memref<1x64xf32, #tpu.memory_space<vmem>>) target_semaphore(%arg12 : memref<!tpu.dma_semaphore, #tpu.memory_space<semaphore_mem>>)
        %slice3A_340 = vector.extract_strided_slice %get3A_48 {offsets = [10], sizes = [1], strides = [1]} : vector<16xi32> to vector<1xi32>
        %squeeze3A_341 = vector.extract %slice3A_340[0] : i32 from vector<1xi32>
        %mul3A_342 = arith.constant 16 : i32
        %mul3A_343 = arith.muli %scan3A_32, %mul3A_342 : i32
        %add3A_344 = arith.constant 10 : i32
        %add3A_345 = arith.addi %mul3A_343, %add3A_344 : i32
        %dma_start3A_346 = arith.constant 0 : i32
        %dma_start3A_347 = tpu.memref_slice %arg11[%add3A_345, %dma_start3A_346] : memref<256x64xf32, #tpu.memory_space<vmem>> -> memref<1x64xf32, #tpu.memory_space<vmem>>
        %dma_start3A_348 = arith.constant 0 : i32
        %dma_start3A_349 = tpu.memref_slice %arg5[%squeeze3A_341, %dma_start3A_348] : memref<1000002x64xf32, #tpu.memory_space<hbm>> -> memref<1x64xf32, #tpu.memory_space<hbm>>
        %dma_start3A_350 = arith.constant 0 : i32
        %dma_start3A_351 = tpu.memref_slice %arg11[%add3A_345, %dma_start3A_350] : memref<256x64xf32, #tpu.memory_space<vmem>> -> memref<1x64xf32, #tpu.memory_space<vmem>>
        %dma_start3A_352 = arith.constant 0 : i32
        %dma_start3A_353 = tpu.memref_slice %arg5[%squeeze3A_341, %dma_start3A_352] : memref<1000002x64xf32, #tpu.memory_space<hbm>> -> memref<1x64xf32, #tpu.memory_space<hbm>>
        tpu.enqueue_dma source(%dma_start3A_353 : memref<1x64xf32, #tpu.memory_space<hbm>>) target(%dma_start3A_351 : memref<1x64xf32, #tpu.memory_space<vmem>>) target_semaphore(%arg13 : memref<!tpu.dma_semaphore, #tpu.memory_space<semaphore_mem>>)
        %slice3A_354 = vector.extract_strided_slice %get3A_40 {offsets = [11], sizes = [1], strides = [1]} : vector<16xi32> to vector<1xi32>
        %squeeze3A_355 = vector.extract %slice3A_354[0] : i32 from vector<1xi32>
        %mul3A_356 = arith.constant 16 : i32
        %mul3A_357 = arith.muli %scan3A_32, %mul3A_356 : i32
        %add3A_358 = arith.constant 11 : i32
        %add3A_359 = arith.addi %mul3A_357, %add3A_358 : i32
        %dma_start3A_360 = arith.constant 0 : i32
        %dma_start3A_361 = tpu.memref_slice %arg10[%add3A_359, %dma_start3A_360] : memref<256x64xf32, #tpu.memory_space<vmem>> -> memref<1x64xf32, #tpu.memory_space<vmem>>
        %dma_start3A_362 = arith.constant 0 : i32
        %dma_start3A_363 = tpu.memref_slice %arg4[%squeeze3A_355, %dma_start3A_362] : memref<1000002x64xf32, #tpu.memory_space<hbm>> -> memref<1x64xf32, #tpu.memory_space<hbm>>
        %dma_start3A_364 = arith.constant 0 : i32
        %dma_start3A_365 = tpu.memref_slice %arg10[%add3A_359, %dma_start3A_364] : memref<256x64xf32, #tpu.memory_space<vmem>> -> memref<1x64xf32, #tpu.memory_space<vmem>>
        %dma_start3A_366 = arith.constant 0 : i32
        %dma_start3A_367 = tpu.memref_slice %arg4[%squeeze3A_355, %dma_start3A_366] : memref<1000002x64xf32, #tpu.memory_space<hbm>> -> memref<1x64xf32, #tpu.memory_space<hbm>>
        tpu.enqueue_dma source(%dma_start3A_367 : memref<1x64xf32, #tpu.memory_space<hbm>>) target(%dma_start3A_365 : memref<1x64xf32, #tpu.memory_space<vmem>>) target_semaphore(%arg12 : memref<!tpu.dma_semaphore, #tpu.memory_space<semaphore_mem>>)
        %slice3A_368 = vector.extract_strided_slice %get3A_48 {offsets = [11], sizes = [1], strides = [1]} : vector<16xi32> to vector<1xi32>
        %squeeze3A_369 = vector.extract %slice3A_368[0] : i32 from vector<1xi32>
        %mul3A_370 = arith.constant 16 : i32
        %mul3A_371 = arith.muli %scan3A_32, %mul3A_370 : i32
        %add3A_372 = arith.constant 11 : i32
        %add3A_373 = arith.addi %mul3A_371, %add3A_372 : i32
        %dma_start3A_374 = arith.constant 0 : i32
        %dma_start3A_375 = tpu.memref_slice %arg11[%add3A_373, %dma_start3A_374] : memref<256x64xf32, #tpu.memory_space<vmem>> -> memref<1x64xf32, #tpu.memory_space<vmem>>
        %dma_start3A_376 = arith.constant 0 : i32
        %dma_start3A_377 = tpu.memref_slice %arg5[%squeeze3A_369, %dma_start3A_376] : memref<1000002x64xf32, #tpu.memory_space<hbm>> -> memref<1x64xf32, #tpu.memory_space<hbm>>
        %dma_start3A_378 = arith.constant 0 : i32
        %dma_start3A_379 = tpu.memref_slice %arg11[%add3A_373, %dma_start3A_378] : memref<256x64xf32, #tpu.memory_space<vmem>> -> memref<1x64xf32, #tpu.memory_space<vmem>>
        %dma_start3A_380 = arith.constant 0 : i32
        %dma_start3A_381 = tpu.memref_slice %arg5[%squeeze3A_369, %dma_start3A_380] : memref<1000002x64xf32, #tpu.memory_space<hbm>> -> memref<1x64xf32, #tpu.memory_space<hbm>>
        tpu.enqueue_dma source(%dma_start3A_381 : memref<1x64xf32, #tpu.memory_space<hbm>>) target(%dma_start3A_379 : memref<1x64xf32, #tpu.memory_space<vmem>>) target_semaphore(%arg13 : memref<!tpu.dma_semaphore, #tpu.memory_space<semaphore_mem>>)
        %slice3A_382 = vector.extract_strided_slice %get3A_40 {offsets = [12], sizes = [1], strides = [1]} : vector<16xi32> to vector<1xi32>
        %squeeze3A_383 = vector.extract %slice3A_382[0] : i32 from vector<1xi32>
        %mul3A_384 = arith.constant 16 : i32
        %mul3A_385 = arith.muli %scan3A_32, %mul3A_384 : i32
        %add3A_386 = arith.constant 12 : i32
        %add3A_387 = arith.addi %mul3A_385, %add3A_386 : i32
        %dma_start3A_388 = arith.constant 0 : i32
        %dma_start3A_389 = tpu.memref_slice %arg10[%add3A_387, %dma_start3A_388] : memref<256x64xf32, #tpu.memory_space<vmem>> -> memref<1x64xf32, #tpu.memory_space<vmem>>
        %dma_start3A_390 = arith.constant 0 : i32
        %dma_start3A_391 = tpu.memref_slice %arg4[%squeeze3A_383, %dma_start3A_390] : memref<1000002x64xf32, #tpu.memory_space<hbm>> -> memref<1x64xf32, #tpu.memory_space<hbm>>
        %dma_start3A_392 = arith.constant 0 : i32
        %dma_start3A_393 = tpu.memref_slice %arg10[%add3A_387, %dma_start3A_392] : memref<256x64xf32, #tpu.memory_space<vmem>> -> memref<1x64xf32, #tpu.memory_space<vmem>>
        %dma_start3A_394 = arith.constant 0 : i32
        %dma_start3A_395 = tpu.memref_slice %arg4[%squeeze3A_383, %dma_start3A_394] : memref<1000002x64xf32, #tpu.memory_space<hbm>> -> memref<1x64xf32, #tpu.memory_space<hbm>>
        tpu.enqueue_dma source(%dma_start3A_395 : memref<1x64xf32, #tpu.memory_space<hbm>>) target(%dma_start3A_393 : memref<1x64xf32, #tpu.memory_space<vmem>>) target_semaphore(%arg12 : memref<!tpu.dma_semaphore, #tpu.memory_space<semaphore_mem>>)
        %slice3A_396 = vector.extract_strided_slice %get3A_48 {offsets = [12], sizes = [1], strides = [1]} : vector<16xi32> to vector<1xi32>
        %squeeze3A_397 = vector.extract %slice3A_396[0] : i32 from vector<1xi32>
        %mul3A_398 = arith.constant 16 : i32
        %mul3A_399 = arith.muli %scan3A_32, %mul3A_398 : i32
        %add3A_400 = arith.constant 12 : i32
        %add3A_401 = arith.addi %mul3A_399, %add3A_400 : i32
        %dma_start3A_402 = arith.constant 0 : i32
        %dma_start3A_403 = tpu.memref_slice %arg11[%add3A_401, %dma_start3A_402] : memref<256x64xf32, #tpu.memory_space<vmem>> -> memref<1x64xf32, #tpu.memory_space<vmem>>
        %dma_start3A_404 = arith.constant 0 : i32
        %dma_start3A_405 = tpu.memref_slice %arg5[%squeeze3A_397, %dma_start3A_404] : memref<1000002x64xf32, #tpu.memory_space<hbm>> -> memref<1x64xf32, #tpu.memory_space<hbm>>
        %dma_start3A_406 = arith.constant 0 : i32
        %dma_start3A_407 = tpu.memref_slice %arg11[%add3A_401, %dma_start3A_406] : memref<256x64xf32, #tpu.memory_space<vmem>> -> memref<1x64xf32, #tpu.memory_space<vmem>>
        %dma_start3A_408 = arith.constant 0 : i32
        %dma_start3A_409 = tpu.memref_slice %arg5[%squeeze3A_397, %dma_start3A_408] : memref<1000002x64xf32, #tpu.memory_space<hbm>> -> memref<1x64xf32, #tpu.memory_space<hbm>>
        tpu.enqueue_dma source(%dma_start3A_409 : memref<1x64xf32, #tpu.memory_space<hbm>>) target(%dma_start3A_407 : memref<1x64xf32, #tpu.memory_space<vmem>>) target_semaphore(%arg13 : memref<!tpu.dma_semaphore, #tpu.memory_space<semaphore_mem>>)
        %slice3A_410 = vector.extract_strided_slice %get3A_40 {offsets = [13], sizes = [1], strides = [1]} : vector<16xi32> to vector<1xi32>
        %squeeze3A_411 = vector.extract %slice3A_410[0] : i32 from vector<1xi32>
        %mul3A_412 = arith.constant 16 : i32
        %mul3A_413 = arith.muli %scan3A_32, %mul3A_412 : i32
        %add3A_414 = arith.constant 13 : i32
        %add3A_415 = arith.addi %mul3A_413, %add3A_414 : i32
        %dma_start3A_416 = arith.constant 0 : i32
        %dma_start3A_417 = tpu.memref_slice %arg10[%add3A_415, %dma_start3A_416] : memref<256x64xf32, #tpu.memory_space<vmem>> -> memref<1x64xf32, #tpu.memory_space<vmem>>
        %dma_start3A_418 = arith.constant 0 : i32
        %dma_start3A_419 = tpu.memref_slice %arg4[%squeeze3A_411, %dma_start3A_418] : memref<1000002x64xf32, #tpu.memory_space<hbm>> -> memref<1x64xf32, #tpu.memory_space<hbm>>
        %dma_start3A_420 = arith.constant 0 : i32
        %dma_start3A_421 = tpu.memref_slice %arg10[%add3A_415, %dma_start3A_420] : memref<256x64xf32, #tpu.memory_space<vmem>> -> memref<1x64xf32, #tpu.memory_space<vmem>>
        %dma_start3A_422 = arith.constant 0 : i32
        %dma_start3A_423 = tpu.memref_slice %arg4[%squeeze3A_411, %dma_start3A_422] : memref<1000002x64xf32, #tpu.memory_space<hbm>> -> memref<1x64xf32, #tpu.memory_space<hbm>>
        tpu.enqueue_dma source(%dma_start3A_423 : memref<1x64xf32, #tpu.memory_space<hbm>>) target(%dma_start3A_421 : memref<1x64xf32, #tpu.memory_space<vmem>>) target_semaphore(%arg12 : memref<!tpu.dma_semaphore, #tpu.memory_space<semaphore_mem>>)
        %slice3A_424 = vector.extract_strided_slice %get3A_48 {offsets = [13], sizes = [1], strides = [1]} : vector<16xi32> to vector<1xi32>
        %squeeze3A_425 = vector.extract %slice3A_424[0] : i32 from vector<1xi32>
        %mul3A_426 = arith.constant 16 : i32
        %mul3A_427 = arith.muli %scan3A_32, %mul3A_426 : i32
        %add3A_428 = arith.constant 13 : i32
        %add3A_429 = arith.addi %mul3A_427, %add3A_428 : i32
        %dma_start3A_430 = arith.constant 0 : i32
        %dma_start3A_431 = tpu.memref_slice %arg11[%add3A_429, %dma_start3A_430] : memref<256x64xf32, #tpu.memory_space<vmem>> -> memref<1x64xf32, #tpu.memory_space<vmem>>
        %dma_start3A_432 = arith.constant 0 : i32
        %dma_start3A_433 = tpu.memref_slice %arg5[%squeeze3A_425, %dma_start3A_432] : memref<1000002x64xf32, #tpu.memory_space<hbm>> -> memref<1x64xf32, #tpu.memory_space<hbm>>
        %dma_start3A_434 = arith.constant 0 : i32
        %dma_start3A_435 = tpu.memref_slice %arg11[%add3A_429, %dma_start3A_434] : memref<256x64xf32, #tpu.memory_space<vmem>> -> memref<1x64xf32, #tpu.memory_space<vmem>>
        %dma_start3A_436 = arith.constant 0 : i32
        %dma_start3A_437 = tpu.memref_slice %arg5[%squeeze3A_425, %dma_start3A_436] : memref<1000002x64xf32, #tpu.memory_space<hbm>> -> memref<1x64xf32, #tpu.memory_space<hbm>>
        tpu.enqueue_dma source(%dma_start3A_437 : memref<1x64xf32, #tpu.memory_space<hbm>>) target(%dma_start3A_435 : memref<1x64xf32, #tpu.memory_space<vmem>>) target_semaphore(%arg13 : memref<!tpu.dma_semaphore, #tpu.memory_space<semaphore_mem>>)
        %slice3A_438 = vector.extract_strided_slice %get3A_40 {offsets = [14], sizes = [1], strides = [1]} : vector<16xi32> to vector<1xi32>
        %squeeze3A_439 = vector.extract %slice3A_438[0] : i32 from vector<1xi32>
        %mul3A_440 = arith.constant 16 : i32
        %mul3A_441 = arith.muli %scan3A_32, %mul3A_440 : i32
        %add3A_442 = arith.constant 14 : i32
        %add3A_443 = arith.addi %mul3A_441, %add3A_442 : i32
        %dma_start3A_444 = arith.constant 0 : i32
        %dma_start3A_445 = tpu.memref_slice %arg10[%add3A_443, %dma_start3A_444] : memref<256x64xf32, #tpu.memory_space<vmem>> -> memref<1x64xf32, #tpu.memory_space<vmem>>
        %dma_start3A_446 = arith.constant 0 : i32
        %dma_start3A_447 = tpu.memref_slice %arg4[%squeeze3A_439, %dma_start3A_446] : memref<1000002x64xf32, #tpu.memory_space<hbm>> -> memref<1x64xf32, #tpu.memory_space<hbm>>
        %dma_start3A_448 = arith.constant 0 : i32
        %dma_start3A_449 = tpu.memref_slice %arg10[%add3A_443, %dma_start3A_448] : memref<256x64xf32, #tpu.memory_space<vmem>> -> memref<1x64xf32, #tpu.memory_space<vmem>>
        %dma_start3A_450 = arith.constant 0 : i32
        %dma_start3A_451 = tpu.memref_slice %arg4[%squeeze3A_439, %dma_start3A_450] : memref<1000002x64xf32, #tpu.memory_space<hbm>> -> memref<1x64xf32, #tpu.memory_space<hbm>>
        tpu.enqueue_dma source(%dma_start3A_451 : memref<1x64xf32, #tpu.memory_space<hbm>>) target(%dma_start3A_449 : memref<1x64xf32, #tpu.memory_space<vmem>>) target_semaphore(%arg12 : memref<!tpu.dma_semaphore, #tpu.memory_space<semaphore_mem>>)
        %slice3A_452 = vector.extract_strided_slice %get3A_48 {offsets = [14], sizes = [1], strides = [1]} : vector<16xi32> to vector<1xi32>
        %squeeze3A_453 = vector.extract %slice3A_452[0] : i32 from vector<1xi32>
        %mul3A_454 = arith.constant 16 : i32
        %mul3A_455 = arith.muli %scan3A_32, %mul3A_454 : i32
        %add3A_456 = arith.constant 14 : i32
        %add3A_457 = arith.addi %mul3A_455, %add3A_456 : i32
        %dma_start3A_458 = arith.constant 0 : i32
        %dma_start3A_459 = tpu.memref_slice %arg11[%add3A_457, %dma_start3A_458] : memref<256x64xf32, #tpu.memory_space<vmem>> -> memref<1x64xf32, #tpu.memory_space<vmem>>
        %dma_start3A_460 = arith.constant 0 : i32
        %dma_start3A_461 = tpu.memref_slice %arg5[%squeeze3A_453, %dma_start3A_460] : memref<1000002x64xf32, #tpu.memory_space<hbm>> -> memref<1x64xf32, #tpu.memory_space<hbm>>
        %dma_start3A_462 = arith.constant 0 : i32
        %dma_start3A_463 = tpu.memref_slice %arg11[%add3A_457, %dma_start3A_462] : memref<256x64xf32, #tpu.memory_space<vmem>> -> memref<1x64xf32, #tpu.memory_space<vmem>>
        %dma_start3A_464 = arith.constant 0 : i32
        %dma_start3A_465 = tpu.memref_slice %arg5[%squeeze3A_453, %dma_start3A_464] : memref<1000002x64xf32, #tpu.memory_space<hbm>> -> memref<1x64xf32, #tpu.memory_space<hbm>>
        tpu.enqueue_dma source(%dma_start3A_465 : memref<1x64xf32, #tpu.memory_space<hbm>>) target(%dma_start3A_463 : memref<1x64xf32, #tpu.memory_space<vmem>>) target_semaphore(%arg13 : memref<!tpu.dma_semaphore, #tpu.memory_space<semaphore_mem>>)
        %slice3A_466 = vector.extract_strided_slice %get3A_40 {offsets = [15], sizes = [1], strides = [1]} : vector<16xi32> to vector<1xi32>
        %squeeze3A_467 = vector.extract %slice3A_466[0] : i32 from vector<1xi32>
        %mul3A_468 = arith.constant 16 : i32
        %mul3A_469 = arith.muli %scan3A_32, %mul3A_468 : i32
        %add3A_470 = arith.constant 15 : i32
        %add3A_471 = arith.addi %mul3A_469, %add3A_470 : i32
        %dma_start3A_472 = arith.constant 0 : i32
        %dma_start3A_473 = tpu.memref_slice %arg10[%add3A_471, %dma_start3A_472] : memref<256x64xf32, #tpu.memory_space<vmem>> -> memref<1x64xf32, #tpu.memory_space<vmem>>
        %dma_start3A_474 = arith.constant 0 : i32
        %dma_start3A_475 = tpu.memref_slice %arg4[%squeeze3A_467, %dma_start3A_474] : memref<1000002x64xf32, #tpu.memory_space<hbm>> -> memref<1x64xf32, #tpu.memory_space<hbm>>
        %dma_start3A_476 = arith.constant 0 : i32
        %dma_start3A_477 = tpu.memref_slice %arg10[%add3A_471, %dma_start3A_476] : memref<256x64xf32, #tpu.memory_space<vmem>> -> memref<1x64xf32, #tpu.memory_space<vmem>>
        %dma_start3A_478 = arith.constant 0 : i32
        %dma_start3A_479 = tpu.memref_slice %arg4[%squeeze3A_467, %dma_start3A_478] : memref<1000002x64xf32, #tpu.memory_space<hbm>> -> memref<1x64xf32, #tpu.memory_space<hbm>>
        tpu.enqueue_dma source(%dma_start3A_479 : memref<1x64xf32, #tpu.memory_space<hbm>>) target(%dma_start3A_477 : memref<1x64xf32, #tpu.memory_space<vmem>>) target_semaphore(%arg12 : memref<!tpu.dma_semaphore, #tpu.memory_space<semaphore_mem>>)
        %slice3A_480 = vector.extract_strided_slice %get3A_48 {offsets = [15], sizes = [1], strides = [1]} : vector<16xi32> to vector<1xi32>
        %squeeze3A_481 = vector.extract %slice3A_480[0] : i32 from vector<1xi32>
        %mul3A_482 = arith.constant 16 : i32
        %mul3A_483 = arith.muli %scan3A_32, %mul3A_482 : i32
        %add3A_484 = arith.constant 15 : i32
        %add3A_485 = arith.addi %mul3A_483, %add3A_484 : i32
        %dma_start3A_486 = arith.constant 0 : i32
        %dma_start3A_487 = tpu.memref_slice %arg11[%add3A_485, %dma_start3A_486] : memref<256x64xf32, #tpu.memory_space<vmem>> -> memref<1x64xf32, #tpu.memory_space<vmem>>
        %dma_start3A_488 = arith.constant 0 : i32
        %dma_start3A_489 = tpu.memref_slice %arg5[%squeeze3A_481, %dma_start3A_488] : memref<1000002x64xf32, #tpu.memory_space<hbm>> -> memref<1x64xf32, #tpu.memory_space<hbm>>
        %dma_start3A_490 = arith.constant 0 : i32
        %dma_start3A_491 = tpu.memref_slice %arg11[%add3A_485, %dma_start3A_490] : memref<256x64xf32, #tpu.memory_space<vmem>> -> memref<1x64xf32, #tpu.memory_space<vmem>>
        %dma_start3A_492 = arith.constant 0 : i32
        %dma_start3A_493 = tpu.memref_slice %arg5[%squeeze3A_481, %dma_start3A_492] : memref<1000002x64xf32, #tpu.memory_space<hbm>> -> memref<1x64xf32, #tpu.memory_space<hbm>>
        tpu.enqueue_dma source(%dma_start3A_493 : memref<1x64xf32, #tpu.memory_space<hbm>>) target(%dma_start3A_491 : memref<1x64xf32, #tpu.memory_space<vmem>>) target_semaphore(%arg13 : memref<!tpu.dma_semaphore, #tpu.memory_space<semaphore_mem>>)
        %scan3A_494 = arith.constant 0 : i32
        scf.yield %scan3A_494 : i32
      }
      %scan3A_17 = arith.constant 16 : i32
      %scan3A_18 = arith.constant 0 : i32
      %scan3A_19 = arith.constant 0 : i32
      %scan3A_20 = arith.constant 256 : i32
      %scan3A_21 = arith.addi %scan3A_19, %scan3A_20 : i32
      %scan3A_22 = arith.constant 1 : i32
      %scan3A_23 = scf.for %scan3A_32 = %scan3A_19 to %scan3A_21 step %scan3A_22 iter_args(%scan3A_33 = %scan3A_18) -> (i32)  : i32 {
        %dma_wait3A = arith.constant 0 : i32
        %dma_wait3A_34 = arith.constant 0 : i32
        %dma_wait3A_35 = tpu.memref_slice %arg10[%dma_wait3A, %dma_wait3A_34] : memref<256x64xf32, #tpu.memory_space<vmem>> -> memref<1x64xf32, #tpu.memory_space<vmem>>
        %dma_wait3A_36 = arith.constant 0 : i32
        %dma_wait3A_37 = arith.constant 0 : i32
        %dma_wait3A_38 = tpu.memref_slice %arg4[%dma_wait3A_36, %dma_wait3A_37] : memref<1000002x64xf32, #tpu.memory_space<hbm>> -> memref<1x64xf32, #tpu.memory_space<hbm>>
        %dma_wait3A_39 = arith.constant 0 : i32
        %dma_wait3A_40 = arith.constant 0 : i32
        %dma_wait3A_41 = tpu.memref_slice %arg10[%dma_wait3A_39, %dma_wait3A_40] : memref<256x64xf32, #tpu.memory_space<vmem>> -> memref<1x64xf32, #tpu.memory_space<vmem>>
        %dma_wait3A_42 = arith.constant 0 : i32
        %dma_wait3A_43 = arith.constant 0 : i32
        %dma_wait3A_44 = tpu.memref_slice %arg4[%dma_wait3A_42, %dma_wait3A_43] : memref<1000002x64xf32, #tpu.memory_space<hbm>> -> memref<1x64xf32, #tpu.memory_space<hbm>>
        tpu.wait_dma2 semaphore(%arg12 : memref<!tpu.dma_semaphore, #tpu.memory_space<semaphore_mem>>) src(%dma_wait3A_44 : memref<1x64xf32, #tpu.memory_space<hbm>>) dst(%dma_wait3A_41 : memref<1x64xf32, #tpu.memory_space<vmem>>)
        %dma_wait3A_45 = arith.constant 0 : i32
        %dma_wait3A_46 = arith.constant 0 : i32
        %dma_wait3A_47 = tpu.memref_slice %arg11[%dma_wait3A_45, %dma_wait3A_46] : memref<256x64xf32, #tpu.memory_space<vmem>> -> memref<1x64xf32, #tpu.memory_space<vmem>>
        %dma_wait3A_48 = arith.constant 0 : i32
        %dma_wait3A_49 = arith.constant 0 : i32
        %dma_wait3A_50 = tpu.memref_slice %arg5[%dma_wait3A_48, %dma_wait3A_49] : memref<1000002x64xf32, #tpu.memory_space<hbm>> -> memref<1x64xf32, #tpu.memory_space<hbm>>
        %dma_wait3A_51 = arith.constant 0 : i32
        %dma_wait3A_52 = arith.constant 0 : i32
        %dma_wait3A_53 = tpu.memref_slice %arg11[%dma_wait3A_51, %dma_wait3A_52] : memref<256x64xf32, #tpu.memory_space<vmem>> -> memref<1x64xf32, #tpu.memory_space<vmem>>
        %dma_wait3A_54 = arith.constant 0 : i32
        %dma_wait3A_55 = arith.constant 0 : i32
        %dma_wait3A_56 = tpu.memref_slice %arg5[%dma_wait3A_54, %dma_wait3A_55] : memref<1000002x64xf32, #tpu.memory_space<hbm>> -> memref<1x64xf32, #tpu.memory_space<hbm>>
        tpu.wait_dma2 semaphore(%arg13 : memref<!tpu.dma_semaphore, #tpu.memory_space<semaphore_mem>>) src(%dma_wait3A_56 : memref<1x64xf32, #tpu.memory_space<hbm>>) dst(%dma_wait3A_53 : memref<1x64xf32, #tpu.memory_space<vmem>>)
        %scan3A_57 = arith.constant 0 : i32
        scf.yield %scan3A_57 : i32
      }
      %scan3A_24 = arith.constant 256 : i32
      %mul3A_25 = arith.constant 256 : i32
      %mul3A_26 = arith.muli %scan3A_9, %mul3A_25 : i32
      %add3A_27 = arith.addi %mul3A_2, %mul3A_26 : i32
      "tpu.region"() ({
        %run_scoped3A = tpu.sem_alloc : memref<!tpu.dma_semaphore, #tpu.memory_space<semaphore_mem>>
        %dma_start3A = arith.constant 0 : i32
        %dma_start3A_32 = tpu.memref_slice %arg6[%add3A_27, %dma_start3A] : memref<16384x64xf32, #tpu.memory_space<hbm>> -> memref<256x64xf32, #tpu.memory_space<hbm>>
        %dma_start3A_33 = arith.constant 0 : i32
        %dma_start3A_34 = tpu.memref_slice %arg6[%add3A_27, %dma_start3A_33] : memref<16384x64xf32, #tpu.memory_space<hbm>> -> memref<256x64xf32, #tpu.memory_space<hbm>>
        tpu.enqueue_dma source(%arg10 : memref<256x64xf32, #tpu.memory_space<vmem>>) target(%dma_start3A_34 : memref<256x64xf32, #tpu.memory_space<hbm>>) target_semaphore(%run_scoped3A : memref<!tpu.dma_semaphore, #tpu.memory_space<semaphore_mem>>)
        %dma_wait3A = arith.constant 0 : i32
        %dma_wait3A_35 = tpu.memref_slice %arg6[%add3A_27, %dma_wait3A] : memref<16384x64xf32, #tpu.memory_space<hbm>> -> memref<256x64xf32, #tpu.memory_space<hbm>>
        %dma_wait3A_36 = arith.constant 0 : i32
        %dma_wait3A_37 = tpu.memref_slice %arg6[%add3A_27, %dma_wait3A_36] : memref<16384x64xf32, #tpu.memory_space<hbm>> -> memref<256x64xf32, #tpu.memory_space<hbm>>
        tpu.wait_dma2 semaphore(%run_scoped3A : memref<!tpu.dma_semaphore, #tpu.memory_space<semaphore_mem>>) src(%arg10 : memref<256x64xf32, #tpu.memory_space<vmem>>) dst(%dma_wait3A_37 : memref<256x64xf32, #tpu.memory_space<hbm>>)
        tpu.yield
      }) : () -> ()
      %mul3A_28 = arith.constant 256 : i32
      %mul3A_29 = arith.muli %scan3A_9, %mul3A_28 : i32
      %add3A_30 = arith.addi %mul3A_2, %mul3A_29 : i32
      "tpu.region"() ({
        %run_scoped3A = tpu.sem_alloc : memref<!tpu.dma_semaphore, #tpu.memory_space<semaphore_mem>>
        %dma_start3A = arith.constant 0 : i32
        %dma_start3A_32 = tpu.memref_slice %arg7[%add3A_30, %dma_start3A] : memref<16384x64xf32, #tpu.memory_space<hbm>> -> memref<256x64xf32, #tpu.memory_space<hbm>>
        %dma_start3A_33 = arith.constant 0 : i32
        %dma_start3A_34 = tpu.memref_slice %arg7[%add3A_30, %dma_start3A_33] : memref<16384x64xf32, #tpu.memory_space<hbm>> -> memref<256x64xf32, #tpu.memory_space<hbm>>
        tpu.enqueue_dma source(%arg11 : memref<256x64xf32, #tpu.memory_space<vmem>>) target(%dma_start3A_34 : memref<256x64xf32, #tpu.memory_space<hbm>>) target_semaphore(%run_scoped3A : memref<!tpu.dma_semaphore, #tpu.memory_space<semaphore_mem>>)
        %dma_wait3A = arith.constant 0 : i32
        %dma_wait3A_35 = tpu.memref_slice %arg7[%add3A_30, %dma_wait3A] : memref<16384x64xf32, #tpu.memory_space<hbm>> -> memref<256x64xf32, #tpu.memory_space<hbm>>
        %dma_wait3A_36 = arith.constant 0 : i32
        %dma_wait3A_37 = tpu.memref_slice %arg7[%add3A_30, %dma_wait3A_36] : memref<16384x64xf32, #tpu.memory_space<hbm>> -> memref<256x64xf32, #tpu.memory_space<hbm>>
        tpu.wait_dma2 semaphore(%run_scoped3A : memref<!tpu.dma_semaphore, #tpu.memory_space<semaphore_mem>>) src(%arg11 : memref<256x64xf32, #tpu.memory_space<vmem>>) dst(%dma_wait3A_37 : memref<256x64xf32, #tpu.memory_space<hbm>>)
        tpu.yield
      }) : () -> ()
      %scan3A_31 = arith.constant 0 : i32
      scf.yield %scan3A_31 : i32
    }
    %scan3A_8 = arith.constant 2 : i32
    return
  }
}

</mosaic_0001>

<sc_bundles>
// kernel: kernel.3.cloned.1.call-start
scs
__scs_entry_jumppad:
0x0: {  	(pc) =	sbr.rel $0x88, $3  }
0x1: {  	(tag) =	ssettag $0x0;
	lr =	simm.s32 $0x1  }
0x2: {  	[smem:$0x3F9E] =	sst lr;
	_ =	strace $0xD0000000  }
0x3: {  	_ = 	snop  }
0x4: {  	_ = 	snop  }
0x5: {  	_ = 	snop  }
0x6: {  	_ = 	snop  }
0x7: {  	_ = 	snop  }
__scs_overlays_trampoline_lowered:
0x8: {  	[smem:$0x3FAD] =	sst s0  }
0x9: {  	[smem:$0x3FAE] =	sst s1  }
0xa: {  	[smem:$0x3FAF] =	sst s2  }
0xb: {  	[smem:$0x3FB0] =	sst s3  }
0xc: {  	[smem:$0x3FB1] =	sst s4  }
0xd: {  	[smem:$0x3FB2] =	sst s5  }
0xe: {  	[smem:$0x3FB3] =	sst s6  }
0xf: {  	[smem:$0x3FB4] =	sst s7  }
0x10: {  	[smem:$0x3FB5] =	sst s8  }
0x11: {  	[smem:$0x3FB6] =	sst s9;
	s0 =	simm.s32 @!p0 $0x0  }
0x12: {  	s1 =	sld [smem:$0x3F9C];
	s0 =	simm.s32 @p0 $0x1  }
0x13: {  	[smem:$0x3FB7] =	sst s0;
	s0 =	simm.s32 @!p1 $0x0  }
0x14: {  	s2 =	sld [smem:$0x3F9B];
	s0 =	simm.s32 @p1 $0x1  }
0x15: {  	[smem:$0x3FB8] =	sst s0;
	s0 =	simm.s32 @!p2 $0x0  }
0x16: {  	s3 =	sld [smem:$0x3FDB];
	s0 =	simm.s32 @p2 $0x1  }
0x17: {  	s4 =	simm.s32 $0x1BF5;
	[smem:$0x3FBA] =	sst s0  }
0x18: {  	s0 =	sld [smem:$0x3F9D];
	_ =	swait.ge [sflag:s4], $0x0  }
0x19: {  	s7 =	sld [smem:$0x3F9E]  }
0x1a: {  	s8 =	sadd.s32 $0xFFFFE003, lr  }
0x1b: {  	s9 =	sadd.s32 $0xFFFFFEF7, lr;
	s5 =	simm.s32 $0xFFFFFFFF;
	p2 =	slt.u32 s8, $0xFFFFF086  }
0x1c: {  	p1 =	slt.u32 s9, $0xF7A;
	s5 =	simm.s32 @!p2 $0x0  }
0x1d: {  	s5 =	simm.s32 @p1 $0x1;
	p0 =	seq.s32 s7, s2  }
0x1e: {  	s7 =	smul.u32 @!p0 $0xF7A, s2;
	p2 =	seq.s32 @!p0 s5, $0x0  }
0x1f: {  	s9 =	smul.u32 $0xF7A, s1;
	s8 =	simm.s32 @!p0 $0x1BF5;
	p2 =	por !p2, p0  }
0x20: {  	[sflag:s8] =	ssyncset.s32 @!p0 $0xFFFFF086;
	s6 =	sadd.s32 @!p0 s3, s7;
	s7 =	simm.s32 @!p0 $0x108  }
0x21: {  	s3 =	sadd.s32 s3, s9;
	s6 =	sadd.s32 @!p0 $0x88, s6;
	s7 =	simm.s32 @p2 $0x1082  }
0x22: {  	[simem:s7], [sflag:s8] =	dma.local @!p0 [hbm:s6], $0xF7A  }
0x23: {  	s9 =	sor.u32 $0xD0000000, s2;
	s6 =	simm.s32 $0x108;
	_ =	swait.ge @!p0 [sflag:s8], $0x0  }
0x24: {  	s3 =	sadd.s32 $0x88, s3;
	s6 =	simm.s32 @!p1 $0x1082;
	[sflag:s4] =	ssyncset.s32 $0xFFFFF086  }
0x25: {  	[simem:s6], [sflag:s4] =	dma.local [hbm:s3], $0xF7A  }
0x26: {  	[smem:$0x3F9E] =	sst s1;
	(tag) =	ssettag s2;
	_ =	strace s9  }
0x27: {  	s1 =	sld [smem:$0x3FAE]  }
0x28: {  	s2 =	sld [smem:$0x3FAF]  }
0x29: {  	s4 =	sld [smem:$0x3FB1]  }
0x2a: {  	p0 =	seq.s32 s5, $0x0;
	s5 =	sld [smem:$0x3FB2]  }
0x2b: {  	s6 =	sld [smem:$0x3FB3]  }
0x2c: {  	s7 =	sld [smem:$0x3FB4]  }
0x2d: {  	s3 =	simm.s32 $0x108;
	s8 =	sld [smem:$0x3FB5]  }
0x2e: {  	s3 =	simm.s32 @!p0 $0x1082;
	s9 =	sld [smem:$0x3FB6]  }
0x2f: {  	lr =	sadd.s32 s0, s3;
	s0 =	sld [smem:$0x3FAD]  }
0x30: {  	s3 =	sld [smem:$0x3FB0]  }
0x31: {  	[smem:$0x3FB9] =	sst s10  }
0x32: {  	s10 =	sld [smem:$0x3FB7];
	_ =	sdelay $0x3  }
0x33: {  	p0 =	seq.s32 s10, $0x1;
	s10 =	sld [smem:$0x3FB9];
	_ =	sdelay $0x3  }
0x34: {  	[smem:$0x3FB9] =	sst s10  }
0x35: {  	s10 =	sld [smem:$0x3FB8];
	_ =	sdelay $0x3  }
0x36: {  	p1 =	seq.s32 s10, $0x1;
	s10 =	sld [smem:$0x3FB9];
	_ =	sdelay $0x3  }
0x37: {  	[smem:$0x3FB9] =	sst s10  }
0x38: {  	s10 =	sld [smem:$0x3FBA]  }
0x39: {  	_ = 	snop;
	(pc) =	sbr.ind lr, $3  }
0x3a: {  	_ = 	snop  }
0x3b: {  	_ = 	snop  }
0x3c: {  	p2 =	seq.s32 s10, $0x1;
	s10 =	sld [smem:$0x3FB9]  }
0x3d: {  	_ =	shalt  }
0x3e: {  	_ =	shalt  }
0x3f: {  	_ =	shalt  }
0x40: {  	_ =	shalt  }
0x41: {  	_ =	shalt  }
0x42: {  	_ =	shalt  }
0x43: {  	_ =	shalt  }
0x44: {  	_ =	shalt  }
0x45: {  	_ =	shalt  }
0x46: {  	_ =	shalt  }
0x47: {  	_ =	shalt  }
0x48: {  	_ =	shalt  }
0x49: {  	_ =	shalt  }
0x4a: {  	_ =	shalt  }
0x4b: {  	_ =	shalt  }
0x4c: {  	_ =	shalt  }
0x4d: {  	_ =	shalt  }
0x4e: {  	_ =	shalt  }
0x4f: {  	_ =	shalt  }
0x50: {  	_ =	shalt  }
0x51: {  	_ =	shalt  }
0x52: {  	_ =	shalt  }
0x53: {  	_ =	shalt  }
0x54: {  	_ =	shalt  }
0x55: {  	_ =	shalt  }
0x56: {  	_ =	shalt  }
0x57: {  	_ =	shalt  }
0x58: {  	_ =	shalt  }
0x59: {  	_ =	shalt  }
0x5a: {  	_ =	shalt  }
0x5b: {  	_ =	shalt  }
0x5c: {  	_ =	shalt  }
0x5d: {  	_ =	shalt  }
0x5e: {  	_ =	shalt  }
0x5f: {  	_ =	shalt  }
0x60: {  	_ =	shalt  }
0x61: {  	_ =	shalt  }
0x62: {  	_ =	shalt  }
0x63: {  	_ =	shalt  }
0x64: {  	_ =	shalt  }
0x65: {  	_ =	shalt  }
0x66: {  	_ =	shalt  }
0x67: {  	_ =	shalt  }
0x68: {  	_ =	shalt  }
0x69: {  	_ =	shalt  }
0x6a: {  	_ =	shalt  }
0x6b: {  	_ =	shalt  }
0x6c: {  	_ =	shalt  }
0x6d: {  	_ =	shalt  }
0x6e: {  	_ =	shalt  }
0x6f: {  	_ =	shalt  }
0x70: {  	_ =	shalt  }
0x71: {  	_ =	shalt  }
0x72: {  	_ =	shalt  }
0x73: {  	_ =	shalt  }
0x74: {  	_ =	shalt  }
0x75: {  	_ =	shalt  }
0x76: {  	_ =	shalt  }
0x77: {  	_ =	shalt  }
0x78: {  	_ =	shalt  }
0x79: {  	_ =	shalt  }
0x7a: {  	_ =	shalt  }
0x7b: {  	_ =	shalt  }
0x7c: {  	_ =	shalt  }
0x7d: {  	_ =	shalt  }
0x7e: {  	_ =	shalt  }
0x7f: {  	_ =	shalt  }
0x80: {  	_ =	shalt  }
0x81: {  	_ =	shalt  }
0x82: {  	_ =	shalt  }
0x83: {  	_ =	shalt  }
0x84: {  	_ =	shalt  }
0x85: {  	_ =	shalt  }
0x86: {  	_ =	shalt  }
0x87: {  	_ =	shalt  }
.Lfunc_end0:
.L_simem_size_0:
called_computation_lowered:
.L_overlay_start_0:
0x88: {  	s2 =	sld [smem:$0x3FD9]  }
0x89: {  	s3 =	sld [smem:$0x3FFE];
	_ =	sdelay $0x1  }
0x8a: {  	s1 =	srdreg.scid  }
0x8b: {  	s0 =	sand.u32 $0x1, s1  }
0x8c: {  	s14 =	sshll.u32 s0, $0xA;
	s2 =	sadd.s32 s3, s2  }
0x8d: {  	s2 =	sadd.s32 s2, s14  }
0x8e: {  	[smem:$0x3FC5] =	sst s2  }
0x8f: {  	_ = 	snop  }
0x90: {  	s2 =	sld [smem:$0x3FD0];
	_ =	sdelay $0x2  }
0x91: {  	s15 =	simm.s32 $0xA;
	s4 =	simm.s32 $0x10  }
0x92: {  	[smem:s4], [sflag:s15] =	dma.local [hbm:s2], $0x1  }
0x93: {  	_ =	swait.eq [sflag:s15], $0x1  }
0x94: {  	[sflag:s15] =	ssyncset.done $0x0  }
0x95: {  	s16 =	sld [smem:$0x10];
	[sflag:s15] =	ssyncadd.s32 $0xFFFFFFFF  }
0x96: {  	s17 =	sld [smem:$0x11];
	(tm) =	ssettm $0x1  }
0x97: {  	s18 =	sld [smem:$0x3FFB];
	_ =	sdelay $0x3  }
0x98: {  	_ =	strace s18  }
0x99: {  	s4 =	sld [smem:$0x3FFC];
	_ =	sdelay $0x3  }
0x9a: {  	_ =	strace s4  }
0x9b: {  	s4 =	sld [smem:$0x3FFD];
	_ =	sdelay $0x3  }
0x9c: {  	_ =	strace s4  }
0x9d: {  	_ =	strace $0x8FFFFFFF  }
0x9e: {  	s19 =	sld [smem:$0x3FDB];
	_ =	sdelay $0x1  }
0x9f: {  	s5 =	simm.s32 $_scs_section_size  }
0xa0: {  	s6 =	simm.s32 $_size__tile_overlayer_lowered;
	s7 =	simm.s32 $_tile_overlayer_lowered  }
0xa1: {  	s22 =	simm.s32 $0x1BFF;
	s21 =	sshll.u32 s7, $0x1;
	s4 =	sadd.s32 s5, s19  }
0xa2: {  	s8 =	simm.s32 $0x0;
	s20 =	sshll.u32 s6, $0x1;
	s6 =	sadd.s32 s21, s4  }
0xa3: {  	[timem:s8], [sflag:s22] =	dma.local [hbm:s6], s20  }
0xa4: {  	_ =	swait.ge [sflag:s22], s20  }
0xa5: {  	s5 =	ssub.s32 $0x0, s20;
	[sflag:s22] =	ssyncset.done $0x0  }
0xa6: {  	[sflag:s22] =	ssyncadd.s32 s5;
	_ =	sdelay $0x1  }
0xa7: {  	s23 =	simm.s32 $0x1B8B  }
0xa8: {  	_ =	swait.ge [sflag:s23], $0x1  }
0xa9: {  	[sflag:s23] =	ssyncset.done $0x0  }
0xaa: {  	s25 =	simm.s32 $0x1B8E;
	s24 =	sld [smem:$0x3FFE];
	[sflag:s23] =	ssyncadd.s32 $0xFFFFFFFF  }
0xab: {  	s26 =	simm.s32 $execute0_lowered;
	[smem:$0x3FD2] =	sst s25  }
0xac: {  	s6 =	sshll.u32 s26, $0x1;
	_ =	strace $0x80000046;
	[dreg:$0x1] =	wrdreg $0xFFFFFFFF  }
0xad: {  	s28 =	simm.s32 $_size_execute0_lowered;
	s4 =	sadd.s32 s4, s6;
	[dreg:$0x0] =	wrdreg $0x0  }
0xae: {  	s6 =	sshll.u32 s28, $0x1;
	[dreg:$0x2] =	wrdreg s4  }
0xaf: {  	[dreg:$0x3] =	wrdreg s6  }
0xb0: {  	[dreg:$0x4] =	wrdreg $0xC0  }
0xb1: {  	_ =	task [dreg:s8], $0x5FFFF  }
0xb2: {  	[dreg:$0x1] =	wrdreg $0xFFFFFFFF  }
0xb3: {  	[dreg:$0x0] =	wrdreg $0x60  }
0xb4: {  	[dreg:$0x2] =	wrdreg s16  }
0xb5: {  	[dreg:$0x3] =	wrdreg s17  }
0xb6: {  	[dreg:$0x4] =	wrdreg s24  }
0xb7: {  	[dreg:$0x5] =	wrdreg $0x9  }
0xb8: {  	_ =	task.clear_ibuf [dreg:s8], $0x6FFFF;
	_ =	strace $0x90000046  }
0xb9: {  	s29 =	simm.s32 $0x9;
	_ =	strace $0x80000048  }
0xba: {  	_ =	swait.ge [sflag:s29], $0x1  }
0xbb: {  	[sflag:s29] =	ssyncadd.s32 $0xFFFFFFFF  }
0xbc: {  	_ =	strace $0x90000048  }
0xbd: {  	_ =	sfence  }
0xbe: {  	s30 =	sld [smem:$0x0];
	_ =	sdelay $0x2  }
0xbf: {  	s31 =	sshll.u32 s1, $0xD;
	s1 =	sshrl.u32 s1, $0x2  }
0xc0: {  	s3 =	sand.u32 $0x4000, s31;
	s1 =	sadd.s32 s1, s30  }
0xc1: {  	s0 =	sor.u32 s3, s0;
	s1 =	sshll.u32 s1, $0x11  }
0xc2: {  	s0 =	sor.u32 s1, s0  }
0xc3: {  	s0 =	sadd.s32 $0x8F2B, s0  }
0xc4: {  	[sflag:s0] =	ssyncadd.remote.s32 $0x1  }
0xc5: {  	_ =	sfence.sel $0xFFFF  }
0xc6: {  	[dreg:$0x0] =	wrdreg $0xFFFFFFFF;
	(pc) =	sbr.abs _section_cstart, $3  }
0xc7: {  	[dreg:$0x1] =	wrdreg $0xFFFFFFFF  }
0xc8: {  	_ =	task.clear_ibuf [dreg:s8], $0x2FFFF;
	_ =	strace $0x9FFFFFFF  }
0xc9: {  	(tm) =	ssettm $0x7FFFFFFF  }
tec
execute0_lowered:
.L_overlay_start_1:
0x0: {  	(tag) =	ssettag $0x1  }
0x1: {  	s0 =	rddreg [dreg:$0x0]  }
0x2: {  	s2 =	rddreg [dreg:$0x1]  }
0x3: {  	s5 =	rddreg [dreg:$0x2];
	s1 =	simm.s32 $0x0  }
0x4: {  	s4 =	srdreg.scid;
	[smem:$0x7FF] =	sst s1  }
0x5: {  	s3 =	sadd.s32 $0xA00, s5;
	s6 =	sand.u32 $0x1, s4;
	s4 =	sadd.s32 $0xF43000, s5  }
0x6: {  	s7 =	stileid.u32;
	s9 =	sadd.s32 $0x1E85600, s5;
	s5 =	sadd.s32 $0x1EC5600, s5  }
0x7: {  	s7 =	sshll.u32 s7, $0xA;
	_ =	strace $0x80000047;
	s8 =	sshll.u32 s6, $0x9  }
0x8: {  	[dreg:$0xd] =	wrdreg s9;
	s6 =	ssub.s32 $0x2, s6;
	s7 =	sor.u32 s8, s7  }
0x9: {  	[dreg:$0xe] =	wrdreg s5;
	s8 =	sshrl.u32 s7, $0x3;
	s30 =	sshll.u32 s7, $0x4  }
0xa: {  	s28 =	sshrl.u32 s6, $0x1;
	s0 =	sadd.s32 s0, s8;
	[dreg:$0x11] =	wrdreg s30  }
0xb: {  	s5 =	ssub.s32 s6, s28;
	s29 =	sadd.s32 s2, s8;
	[dreg:$0xf] =	wrdreg s0  }
0xc: {  	s31 =	smax.u32 s5, $0x1;
	[dreg:$0x10] =	wrdreg s29  }
0xd: {  	s2 =	simm.s32 $0x0;
	[dreg:$0x12] =	wrdreg s31  }
.LBB2_1:
0xe: {  	[dreg:$0x13] =	wrdreg s2  }
0xf: {  	s0 =	rddreg [dreg:$0xf];
	s30 =	simm.s32 $0x3  }
0x10: {  	[tilespmem:s1], [sflag:$0x3] =	stream.linear.gather [hbm4b:s0+s1], $0x200, $0x38;
	[tilespmem:$0x10400] =	vst v63  }
0x11: {  	_ =	swait.ge [sflag:s30], $0x200  }
0x12: {  	[sflag:s30] =	ssyncset.done $0x0  }
0x13: {  	s5 =	simm.s32 $0x200;
	s31 =	rddreg [dreg:$0x10];
	[sflag:s30] =	ssyncadd.s32 $0xFFFFFE00  }
0x14: {  	[tilespmem:s5], [sflag:$0x3] =	stream.linear.gather [hbm4b:s31+s1], $0x200, $0x38;
	[tilespmem:$0x10400] =	vst v63  }
0x15: {  	_ =	swait.ge [sflag:s30], $0x200  }
0x16: {  	[sflag:s30] =	ssyncset.done $0x0  }
0x17: {  	p1 =	por $0x1, $0x1;
	s0 =	simm.s32 $0x0;
	[sflag:s30] =	ssyncadd.s32 $0xFFFFFE00  }
.LBB2_2:
0x18: {  	s10 =	sshll.u32 s0, $0x8  }
0x19: {  	s13 =	sand.u32 $0x3FFFFF00, s10  }
0x1a: {  	[dreg:$0x14] =	wrdreg s0;
	s0 =	sadd.s32 $0x200, s13;
	v0 =	vld [tilespmem:s13+$0x0]  }
0x1b: {  	v2 =	vld [tilespmem:s0+$0x0];
	_ =	sdelay $0x3  }
0x1c: {  	v1 =	vshll.u32 v0, $0x4  }
0x1d: {  	v63 =	vshll.u32 v2, $0x4;
	(v2sf) =	vpush v1, $0x0  }
0x1e: {  	(v2sf) =	vpush v63, $0x0;
	_ =	sdelay $0x2  }
0x1f: {  	(v2sf) =	vpush v1, $0x1  }
0x20: {  	(v2sf) =	vpush v63, $0x1;
	_ =	sdelay $0x1  }
0x21: {  	(v2sf) =	vpush v1, $0x2  }
0x22: {  	(v2sf) =	vpush v63, $0x2;
	_ =	sdelay $0x1  }
0x23: {  	(v2sf) =	vpush v1, $0x3  }
0x24: {  	s20 =	simm.s32 $0x2000;
	s19 =	simm.s32 $0x0  }
0x25: {  	s2 =	simm.s32 $0x8400;
	s7 =	simm.s32 $0x680;
	s6 =	simm.s32 $0x880;
	(v2sf) =	vpush v63, $0x3  }
0x26: {  	s5 =	simm.s32 $0x400;
	s15 =	simm.s32 $0x480;
	s17 =	simm.s32 $0x8480  }
0x27: {  	s22 =	simm.s32 $0x500;
	s25 =	simm.s32 $0x8500;
	s30 =	simm.s32 $0x580  }
0x28: {  	s29 =	simm.s32 $0xA00;
	s28 =	simm.s32 $0xB00;
	s9 =	spop (v2sf)  }
0x29: {  	p0 =	por p1, p1;
	(v2sf) =	vpush v1, $0x4;
	s9 =	sand.u32 $0x1FFFFFF0, s9;
	s11 =	spop (v2sf)  }
0x2a: {  	s10 =	simm.s32 $0x600;
	s9 =	sadd.s32 s3, s9;
	s11 =	sand.u32 $0x1FFFFFF0, s11  }
0x2b: {  	[tilespmem:s5], [sflag:$0x1] =	stream.linear.gather [hbm4b:s9+s1], $0x80, $0x38;
	[tilespmem:$0x10400] =	vst v63  }
0x2c: {  	s12 =	spop (v2sf);
	s5 =	simm.s32 $0x8900;
	s11 =	sadd.s32 s4, s11  }
0x2d: {  	(v2sf) =	vpush v63, $0x4;
	s14 =	sand.u32 $0x1FFFFFF0, s12;
	s16 =	spop (v2sf);
	s12 =	simm.s32 $0xA80  }
0x2e: {  	(v2sf) =	vpush v1, $0x5;
	[tilespmem:s2], [sflag:$0x2] =	stream.linear.gather [hbm4b:s11+s1], $0x80, $0x38;
	[tilespmem:$0x10400] =	vst v63  }
0x2f: {  	s9 =	sand.u32 $0x1FFFFFF0, s16;
	s18 =	spop (v2sf);
	s11 =	sadd.s32 s3, s14  }
0x30: {  	(v2sf) =	vpush v63, $0x5;
	s9 =	sadd.s32 s4, s9;
	s21 =	spop (v2sf);
	s14 =	simm.s32 $0x8580  }
0x31: {  	(v2sf) =	vpush v1, $0x6;
	[tilespmem:s15], [sflag:$0x1] =	stream.linear.gather [hbm4b:s11+s1], $0x80, $0x38;
	[tilespmem:$0x10400] =	vst v63  }
0x32: {  	s24 =	sand.u32 $0x1FFFFFF0, s21;
	s26 =	spop (v2sf);
	s11 =	sand.u32 $0x1FFFFFF0, s18  }
0x33: {  	(v2sf) =	vpush v63, $0x6;
	[tilespmem:s17], [sflag:$0x2] =	stream.linear.gather [hbm4b:s9+s1], $0x80, $0x38;
	[tilespmem:$0x10400] =	vst v63  }
0x34: {  	s31 =	spop (v2sf);
	s23 =	sadd.s32 s3, s11;
	s9 =	sand.u32 $0x1FFFFFF0, s26  }
0x35: {  	(v2sf) =	vpush v1, $0x7;
	[tilespmem:s22], [sflag:$0x1] =	stream.linear.gather [hbm4b:s23+s1], $0x80, $0x38;
	[tilespmem:$0x10400] =	vst v63  }
0x36: {  	s18 =	simm.s32 $0x8600;
	s11 =	sadd.s32 s4, s24;
	s9 =	sadd.s32 s3, s9  }
0x37: {  	[tilespmem:s25], [sflag:$0x2] =	stream.linear.gather [hbm4b:s11+s1], $0x80, $0x38;
	[tilespmem:$0x10400] =	vst v63  }
0x38: {  	s11 =	sand.u32 $0x1FFFFFF0, s31;
	s25 =	simm.s32 $0x8680;
	s8 =	spop (v2sf)  }
0x39: {  	[tilespmem:s30], [sflag:$0x1] =	stream.linear.gather [hbm4b:s9+s1], $0x80, $0x38;
	[tilespmem:$0x10400] =	vst v63  }
0x3a: {  	s15 =	sadd.s32 s4, s11;
	s30 =	simm.s32 $0x700;
	s16 =	sand.u32 $0x1FFFFFF0, s8  }
0x3b: {  	(v2sf) =	vpush v63, $0x7;
	[tilespmem:s14], [sflag:$0x2] =	stream.linear.gather [hbm4b:s15+s1], $0x80, $0x38;
	[tilespmem:$0x10400] =	vst v63  }
0x3c: {  	s8 =	simm.s32 $0x8A00;
	s17 =	spop (v2sf);
	s11 =	sadd.s32 s3, s16  }
0x3d: {  	(v2sf) =	vpush v1, $0x8;
	s16 =	simm.s32 $0x780;
	s9 =	sand.u32 $0x1FFFFFF0, s17;
	s21 =	spop (v2sf)  }
0x3e: {  	(v2sf) =	vpush v63, $0x8;
	[tilespmem:s10], [sflag:$0x1] =	stream.linear.gather [hbm4b:s11+s1], $0x80, $0x38;
	[tilespmem:$0x10400] =	vst v63  }
0x3f: {  	s9 =	sadd.s32 s4, s9;
	s11 =	sand.u32 $0x1FFFFFF0, s21;
	s22 =	spop (v2sf)  }
0x40: {  	(v2sf) =	vpush v1, $0x9;
	s23 =	sadd.s32 s3, s11;
	s24 =	sand.u32 $0x1FFFFFF0, s22;
	s26 =	spop (v2sf)  }
0x41: {  	[tilespmem:s18], [sflag:$0x2] =	stream.linear.gather [hbm4b:s9+s1], $0x80, $0x38;
	[tilespmem:$0x10400] =	vst v63  }
0x42: {  	(v2sf) =	vpush v63, $0x9;
	s10 =	sadd.s32 s4, s24;
	s9 =	sand.u32 $0x1FFFFFF0, s26;
	s31 =	spop (v2sf)  }
0x43: {  	[tilespmem:s7], [sflag:$0x1] =	stream.linear.gather [hbm4b:s23+s1], $0x80, $0x38;
	[tilespmem:$0x10400] =	vst v63  }
0x44: {  	(v2sf) =	vpush v1, $0xA;
	s18 =	simm.s32 $0x8780;
	s26 =	simm.s32 $0x8800;
	s2 =	spop (v2sf)  }
0x45: {  	[tilespmem:s25], [sflag:$0x2] =	stream.linear.gather [hbm4b:s10+s1], $0x80, $0x38;
	[tilespmem:$0x10400] =	vst v63  }
0x46: {  	s9 =	sadd.s32 s3, s9;
	(v2sf) =	vpush v63, $0xA;
	s15 =	sand.u32 $0x1FFFFFF0, s2;
	s10 =	sand.u32 $0x1FFFFFF0, s31  }
0x47: {  	[tilespmem:s30], [sflag:$0x1] =	stream.linear.gather [hbm4b:s9+s1], $0x80, $0x38;
	[tilespmem:$0x10400] =	vst v63  }
0x48: {  	s23 =	simm.s32 $0x800;
	s14 =	sadd.s32 s4, s10;
	s9 =	simm.s32 $0x8700  }
0x49: {  	[tilespmem:s9], [sflag:$0x2] =	stream.linear.gather [hbm4b:s14+s1], $0x80, $0x38;
	[tilespmem:$0x10400] =	vst v63  }
0x4a: {  	s7 =	simm.s32 $0x8980;
	s10 =	sadd.s32 s3, s15;
	s17 =	spop (v2sf);
	(v2sf) =	vpush v1, $0xB  }
0x4b: {  	[tilespmem:s16], [sflag:$0x1] =	stream.linear.gather [hbm4b:s10+s1], $0x80, $0x38;
	[tilespmem:$0x10400] =	vst v63  }
0x4c: {  	s14 =	simm.s32 $0x8880;
	(v2sf) =	vpush v63, $0xB;
	s9 =	sand.u32 $0x1FFFFFF0, s17;
	s21 =	spop (v2sf)  }
0x4d: {  	s9 =	sadd.s32 s4, s9;
	s10 =	sand.u32 $0x1FFFFFF0, s21;
	s22 =	spop (v2sf)  }
0x4e: {  	[tilespmem:s18], [sflag:$0x2] =	stream.linear.gather [hbm4b:s9+s1], $0x80, $0x38;
	[tilespmem:$0x10400] =	vst v63  }
0x4f: {  	(v2sf) =	vpush v1, $0xC;
	s24 =	sadd.s32 s3, s10;
	s25 =	sand.u32 $0x1FFFFFF0, s22;
	s30 =	spop (v2sf)  }
0x50: {  	(v2sf) =	vpush v63, $0xC;
	[tilespmem:s23], [sflag:$0x1] =	stream.linear.gather [hbm4b:s24+s1], $0x80, $0x38;
	[tilespmem:$0x10400] =	vst v63  }
0x51: {  	s10 =	sadd.s32 s4, s25;
	s9 =	sand.u32 $0x1FFFFFF0, s30;
	s31 =	spop (v2sf)  }
0x52: {  	[tilespmem:s26], [sflag:$0x2] =	stream.linear.gather [hbm4b:s10+s1], $0x80, $0x38;
	[tilespmem:$0x10400] =	vst v63  }
0x53: {  	s9 =	sadd.s32 s3, s9;
	s2 =	spop (v2sf);
	s10 =	sand.u32 $0x1FFFFFF0, s31  }
0x54: {  	[tilespmem:s6], [sflag:$0x1] =	stream.linear.gather [hbm4b:s9+s1], $0x80, $0x38;
	[tilespmem:$0x10400] =	vst v63  }
0x55: {  	s16 =	sand.u32 $0x1FFFFFF0, s2;
	s18 =	spop (v2sf);
	s15 =	sadd.s32 s4, s10  }
0x56: {  	[tilespmem:s14], [sflag:$0x2] =	stream.linear.gather [hbm4b:s15+s1], $0x80, $0x38;
	[tilespmem:$0x10400] =	vst v63  }
0x57: {  	s17 =	simm.s32 $0x900;
	s10 =	sadd.s32 s3, s16;
	s21 =	sand.u32 $0x1FFFFFF0, s18  }
0x58: {  	[tilespmem:s17], [sflag:$0x1] =	stream.linear.gather [hbm4b:s10+s1], $0x80, $0x38;
	[tilespmem:$0x10400] =	vst v63  }
0x59: {  	s24 =	simm.s32 $0x980;
	s6 =	sadd.s32 s4, s21;
	s22 =	spop (v2sf)  }
0x5a: {  	[tilespmem:s5], [sflag:$0x2] =	stream.linear.gather [hbm4b:s6+s1], $0x80, $0x38;
	[tilespmem:$0x10400] =	vst v63  }
0x5b: {  	s10 =	simm.s32 $0x8A80;
	(v2sf) =	vpush v1, $0xD;
	s9 =	sand.u32 $0x1FFFFFF0, s22;
	s23 =	spop (v2sf)  }
0x5c: {  	(v2sf) =	vpush v63, $0xD;
	s25 =	sadd.s32 s3, s9;
	s26 =	sand.u32 $0x1FFFFFF0, s23;
	s23 =	sadd.s32 $0x10, s13  }
0x5d: {  	(v2sf) =	vpush v1, $0xE;
	[tilespmem:s24], [sflag:$0x1] =	stream.linear.gather [hbm4b:s25+s1], $0x80, $0x38;
	[tilespmem:$0x10400] =	vst v63  }
0x5e: {  	s31 =	spop (v2sf);
	s30 =	sadd.s32 s4, s26;
	(v2sf) =	vpush v63, $0xE;
	s24 =	sadd.s32 $0x10, s0  }
0x5f: {  	s26 =	simm.s32 $0x8B00;
	s0 =	sand.u32 $0x1FFFFFF0, s31;
	(v2sf) =	vpush v1, $0xF;
	s5 =	spop (v2sf)  }
0x60: {  	[tilespmem:s7], [sflag:$0x2] =	stream.linear.gather [hbm4b:s30+s1], $0x80, $0x38;
	(v2sf) =	vpush v63, $0xF;
	[tilespmem:$0x10400] =	vst v63  }
.LBB2_3:
0x61: {  	_ =	sdelay $0x4  }
0x62: {  	s0 =	sadd.s32 s3, s0;
	s5 =	sand.u32 $0x1FFFFFF0, s5  }
0x63: {  	[tilespmem:s29], [sflag:$0x1] =	stream.linear.gather [hbm4b:s0+s1], $0x80, $0x38;
	[tilespmem:$0x10400] =	vst v63  }
0x64: {  	s16 =	sadd.s32 s4, s5  }
0x65: {  	[tilespmem:s8], [sflag:$0x2] =	stream.linear.gather [hbm4b:s16+s1], $0x80, $0x38;
	[tilespmem:$0x10400] =	vst v63  }
0x66: {  	s6 =	spop (v2sf)  }
0x67: {  	s17 =	sand.u32 $0x1FFFFFF0, s6;
	s18 =	spop (v2sf)  }
0x68: {  	s21 =	sadd.s32 s3, s17;
	s2 =	sand.u32 $0x1FFFFFF0, s18;
	s22 =	spop (v2sf)  }
0x69: {  	[tilespmem:s12], [sflag:$0x1] =	stream.linear.gather [hbm4b:s21+s1], $0x80, $0x38;
	[tilespmem:$0x10400] =	vst v63  }
0x6a: {  	s25 =	sadd.s32 s4, s2;
	s30 =	sand.u32 $0x1FFFFFF0, s22;
	s31 =	spop (v2sf)  }
0x6b: {  	[tilespmem:s10], [sflag:$0x2] =	stream.linear.gather [hbm4b:s25+s1], $0x80, $0x38;
	[tilespmem:$0x10400] =	vst v63  }
0x6c: {  	s2 =	sadd.s32 s3, s30;
	s5 =	sand.u32 $0x1FFFFFF0, s31;
	s6 =	spop (v2sf)  }
0x6d: {  	[tilespmem:s28], [sflag:$0x1] =	stream.linear.gather [hbm4b:s2+s1], $0x80, $0x38;
	[tilespmem:$0x10400] =	vst v63  }
0x6e: {  	s7 =	sadd.s32 s4, s5;
	s8 =	sand.u32 $0x1FFFFFF0, s6;
	s9 =	spop (v2sf)  }
0x6f: {  	[tilespmem:s26], [sflag:$0x2] =	stream.linear.gather [hbm4b:s7+s1], $0x80, $0x38;
	[tilespmem:$0x10400] =	vst v63  }
0x70: {  	s10 =	sadd.s32 $0xB80, s19;
	s5 =	sand.u32 $0x1FFFFFF0, s9;
	s2 =	sadd.s32 s3, s8  }
0x71: {  	[tilespmem:s10], [sflag:$0x1] =	stream.linear.gather [hbm4b:s2+s1], $0x80, $0x38;
	[tilespmem:$0x10400] =	vst v63  }
0x72: {  	s11 =	sadd.s32 $0x8B80, s19;
	s12 =	sadd.s32 s4, s5  }
0x73: {  	[tilespmem:s11], [sflag:$0x2] =	stream.linear.gather [hbm4b:s12+s1], $0x80, $0x38;
	[tilespmem:$0x10400] =	vst v63  }
0x74: {  	v0 =	vld [tilespmem:s23+$0x0]  }
0x75: {  	v2 =	vld [tilespmem:s24+$0x0];
	_ =	sdelay $0x3  }
0x76: {  	v1 =	vshll.u32 v0, $0x4  }
0x77: {  	s13 =	smov.u32 s20;
	v63 =	vshll.u32 v2, $0x4;
	(v2sf) =	vpush v1, $0x0  }
0x78: {  	s19 =	sshra.s32 s13, $0x2;
	(v2sf) =	vpush v63, $0x0  }
0x79: {  	p1 =	sne.s32 s20, $0x1E000;
	s20 =	sadd.s32 $0x2000, s20;
	s31 =	sadd.s32 $0x8400, s19;
	(v2sf) =	vpush v1, $0x1  }
0x7a: {  	s0 =	sadd.s32 $0x680, s19;
	s14 =	sadd.s32 $0x880, s19;
	s15 =	sadd.s32 $0x8900, s19  }
0x7b: {  	s13 =	sadd.s32 $0x8580, s19;
	s16 =	sadd.s32 $0x8A00, s19;
	s21 =	sadd.s32 $0x500, s19;
	(v2sf) =	vpush v63, $0x1  }
0x7c: {  	s18 =	sadd.s32 $0x8600, s19;
	s30 =	sadd.s32 $0x8480, s19;
	[dreg:$0xc] =	wrdreg s0  }
0x7d: {  	s9 =	sadd.s32 $0x8680, s19;
	s6 =	sadd.s32 $0x700, s19;
	[dreg:$0x6] =	wrdreg s14;
	(v2sf) =	vpush v1, $0x2  }
0x7e: {  	s17 =	sadd.s32 $0x8880, s19;
	s22 =	sadd.s32 $0x900, s19;
	[dreg:$0x4] =	wrdreg s15  }
0x7f: {  	s25 =	sadd.s32 $0x8800, s19;
	s29 =	sadd.s32 $0xA00, s19;
	[dreg:$0xa] =	wrdreg s16;
	(v2sf) =	vpush v63, $0x2  }
0x80: {  	s14 =	sadd.s32 $0x580, s19;
	s5 =	sadd.s32 $0xA80, s19;
	[dreg:$0x8] =	wrdreg s17  }
0x81: {  	s0 =	sadd.s32 $0x8500, s19;
	s15 =	sadd.s32 $0x8700, s19;
	[dreg:$0x7] =	wrdreg s22;
	(v2sf) =	vpush v1, $0x3  }
0x82: {  	s16 =	sadd.s32 $0x780, s19;
	[dreg:$0x9] =	wrdreg s25;
	s7 =	sadd.s32 $0x8980, s19  }
0x83: {  	s17 =	sadd.s32 $0x8780, s19;
	s26 =	sadd.s32 $0x800, s19;
	[dreg:$0x5] =	wrdreg s7;
	(v2sf) =	vpush v63, $0x3  }
0x84: {  	s28 =	sadd.s32 $0xB00, s19;
	[dreg:$0xb] =	wrdreg s26;
	s26 =	sadd.s32 $0x8B00, s19;
	(v2sf) =	vpush v1, $0x4  }
0x85: {  	s7 =	sadd.s32 $0x980, s19;
	s2 =	sadd.s32 $0x400, s19;
	s10 =	sadd.s32 $0x8A80, s19  }
0x86: {  	s11 =	sadd.s32 $0x600, s19;
	s12 =	sadd.s32 $0x480, s19;
	s8 =	spop (v2sf)  }
0x87: {  	s23 =	sadd.s32 $0x10, s23;
	s22 =	sand.u32 $0x1FFFFFF0, s8;
	s25 =	spop (v2sf)  }
0x88: {  	(v2sf) =	vpush v63, $0x4;
	s22 =	sadd.s32 s3, s22;
	s25 =	sand.u32 $0x1FFFFFF0, s25;
	s8 =	spop (v2sf)  }
0x89: {  	[tilespmem:s2], [sflag:$0x1] =	stream.linear.gather [hbm4b:s22+s1], $0x80, $0x38;
	[tilespmem:$0x10400] =	vst v63  }
0x8a: {  	(v2sf) =	vpush v1, $0x5;
	s22 =	sadd.s32 s4, s25;
	s8 =	sand.u32 $0x1FFFFFF0, s8;
	s25 =	spop (v2sf)  }
0x8b: {  	[tilespmem:s31], [sflag:$0x2] =	stream.linear.gather [hbm4b:s22+s1], $0x80, $0x38;
	[tilespmem:$0x10400] =	vst v63  }
0x8c: {  	(v2sf) =	vpush v63, $0x5;
	s8 =	sadd.s32 s3, s8;
	s25 =	sand.u32 $0x1FFFFFF0, s25;
	s31 =	spop (v2sf)  }
0x8d: {  	[tilespmem:s12], [sflag:$0x1] =	stream.linear.gather [hbm4b:s8+s1], $0x80, $0x38;
	[tilespmem:$0x10400] =	vst v63  }
0x8e: {  	(v2sf) =	vpush v1, $0x6;
	s22 =	spop (v2sf);
	s8 =	sadd.s32 s4, s25;
	s12 =	sand.u32 $0x1FFFFFF0, s31  }
0x8f: {  	[tilespmem:s30], [sflag:$0x2] =	stream.linear.gather [hbm4b:s8+s1], $0x80, $0x38;
	[tilespmem:$0x10400] =	vst v63  }
0x90: {  	s24 =	sadd.s32 $0x10, s24;
	(v2sf) =	vpush v63, $0x6;
	s31 =	spop (v2sf);
	s25 =	sadd.s32 s3, s12  }
0x91: {  	[tilespmem:s21], [sflag:$0x1] =	stream.linear.gather [hbm4b:s25+s1], $0x80, $0x38;
	[tilespmem:$0x10400] =	vst v63  }
0x92: {  	(v2sf) =	vpush v1, $0x7;
	s12 =	smov.u32 s5;
	s30 =	sand.u32 $0x1FFFFFF0, s22;
	s25 =	spop (v2sf)  }
0x93: {  	s22 =	sand.u32 $0x1FFFFFF0, s31;
	s21 =	sadd.s32 s4, s30;
	(v2sf) =	vpush v63, $0x7;
	s5 =	spop (v2sf)  }
0x94: {  	[tilespmem:s0], [sflag:$0x2] =	stream.linear.gather [hbm4b:s21+s1], $0x80, $0x38;
	[tilespmem:$0x10400] =	vst v63  }
0x95: {  	s30 =	sadd.s32 s3, s22;
	s31 =	sand.u32 $0x1FFFFFF0, s25;
	(v2sf) =	vpush v1, $0x8;
	s21 =	sand.u32 $0x1FFFFFF0, s5  }
0x96: {  	[tilespmem:s14], [sflag:$0x1] =	stream.linear.gather [hbm4b:s30+s1], $0x80, $0x38;
	[tilespmem:$0x10400] =	vst v63  }
0x97: {  	s25 =	sadd.s32 s3, s21;
	s14 =	sadd.s32 s4, s31;
	s22 =	spop (v2sf)  }
0x98: {  	[tilespmem:s13], [sflag:$0x2] =	stream.linear.gather [hbm4b:s14+s1], $0x80, $0x38;
	[tilespmem:$0x10400] =	vst v63  }
0x99: {  	(v2sf) =	vpush v63, $0x8;
	s30 =	sand.u32 $0x1FFFFFF0, s22;
	s31 =	spop (v2sf);
	s22 =	rddreg [dreg:$0xc]  }
0x9a: {  	(v2sf) =	vpush v1, $0x9;
	[tilespmem:s11], [sflag:$0x1] =	stream.linear.gather [hbm4b:s25+s1], $0x80, $0x38;
	[tilespmem:$0x10400] =	vst v63  }
0x9b: {  	s5 =	sadd.s32 s4, s30;
	s13 =	spop (v2sf);
	s11 =	sand.u32 $0x1FFFFFF0, s31  }
0x9c: {  	[tilespmem:s18], [sflag:$0x2] =	stream.linear.gather [hbm4b:s5+s1], $0x80, $0x38;
	[tilespmem:$0x10400] =	vst v63  }
0x9d: {  	s14 =	sadd.s32 s3, s11;
	s21 =	spop (v2sf);
	s18 =	sand.u32 $0x1FFFFFF0, s13  }
0x9e: {  	(v2sf) =	vpush v63, $0x9;
	[tilespmem:s22], [sflag:$0x1] =	stream.linear.gather [hbm4b:s14+s1], $0x80, $0x38;
	[tilespmem:$0x10400] =	vst v63  }
0x9f: {  	s30 =	sand.u32 $0x1FFFFFF0, s21;
	s31 =	spop (v2sf);
	s25 =	sadd.s32 s4, s18  }
0xa0: {  	(v2sf) =	vpush v1, $0xA;
	[tilespmem:s9], [sflag:$0x2] =	stream.linear.gather [hbm4b:s25+s1], $0x80, $0x38;
	[tilespmem:$0x10400] =	vst v63  }
0xa1: {  	s5 =	sadd.s32 s3, s30;
	s8 =	sand.u32 $0x1FFFFFF0, s31;
	s9 =	spop (v2sf)  }
0xa2: {  	(v2sf) =	vpush v63, $0xA;
	s11 =	sadd.s32 s4, s8;
	s8 =	rddreg [dreg:$0xa];
	s14 =	spop (v2sf)  }
0xa3: {  	[tilespmem:s6], [sflag:$0x1] =	stream.linear.gather [hbm4b:s5+s1], $0x80, $0x38;
	[tilespmem:$0x10400] =	vst v63  }
0xa4: {  	s13 =	sand.u32 $0x1FFFFFF0, s9;
	s21 =	sand.u32 $0x1FFFFFF0, s14;
	s22 =	spop (v2sf)  }
0xa5: {  	[tilespmem:s15], [sflag:$0x2] =	stream.linear.gather [hbm4b:s11+s1], $0x80, $0x38;
	[tilespmem:$0x10400] =	vst v63  }
0xa6: {  	(v2sf) =	vpush v1, $0xB;
	s18 =	sadd.s32 s3, s13;
	s25 =	sadd.s32 s4, s21;
	s30 =	sand.u32 $0x1FFFFFF0, s22  }
0xa7: {  	[tilespmem:s16], [sflag:$0x1] =	stream.linear.gather [hbm4b:s18+s1], $0x80, $0x38;
	[tilespmem:$0x10400] =	vst v63  }
0xa8: {  	(v2sf) =	vpush v63, $0xB;
	s22 =	rddreg [dreg:$0x6];
	s2 =	sadd.s32 s3, s30;
	s31 =	spop (v2sf)  }
0xa9: {  	(v2sf) =	vpush v1, $0xC;
	s11 =	rddreg [dreg:$0xb];
	s5 =	sand.u32 $0x1FFFFFF0, s31;
	s9 =	spop (v2sf)  }
0xaa: {  	[tilespmem:s17], [sflag:$0x2] =	stream.linear.gather [hbm4b:s25+s1], $0x80, $0x38;
	[tilespmem:$0x10400] =	vst v63  }
0xab: {  	(v2sf) =	vpush v63, $0xC;
	s16 =	rddreg [dreg:$0x9];
	s13 =	sadd.s32 s4, s5;
	s14 =	sand.u32 $0x1FFFFFF0, s9  }
0xac: {  	[tilespmem:s11], [sflag:$0x1] =	stream.linear.gather [hbm4b:s2+s1], $0x80, $0x38;
	[tilespmem:$0x10400] =	vst v63  }
0xad: {  	s15 =	spop (v2sf);
	s9 =	rddreg [dreg:$0x8];
	s17 =	sadd.s32 s3, s14  }
0xae: {  	[tilespmem:s16], [sflag:$0x2] =	stream.linear.gather [hbm4b:s13+s1], $0x80, $0x38;
	[tilespmem:$0x10400] =	vst v63  }
0xaf: {  	s18 =	sand.u32 $0x1FFFFFF0, s15;
	s15 =	rddreg [dreg:$0x7];
	s21 =	spop (v2sf)  }
0xb0: {  	[tilespmem:s22], [sflag:$0x1] =	stream.linear.gather [hbm4b:s17+s1], $0x80, $0x38;
	[tilespmem:$0x10400] =	vst v63  }
0xb1: {  	s25 =	sadd.s32 s4, s18;
	s30 =	sand.u32 $0x1FFFFFF0, s21;
	s31 =	spop (v2sf)  }
0xb2: {  	[tilespmem:s9], [sflag:$0x2] =	stream.linear.gather [hbm4b:s25+s1], $0x80, $0x38;
	[tilespmem:$0x10400] =	vst v63  }
0xb3: {  	s21 =	rddreg [dreg:$0x4];
	s11 =	sadd.s32 s3, s30;
	s13 =	sand.u32 $0x1FFFFFF0, s31  }
0xb4: {  	[tilespmem:s15], [sflag:$0x1] =	stream.linear.gather [hbm4b:s11+s1], $0x80, $0x38;
	[tilespmem:$0x10400] =	vst v63  }
0xb5: {  	s31 =	rddreg [dreg:$0x5];
	s16 =	sadd.s32 s4, s13;
	s14 =	spop (v2sf)  }
0xb6: {  	(v2sf) =	vpush v1, $0xD;
	[tilespmem:s21], [sflag:$0x2] =	stream.linear.gather [hbm4b:s16+s1], $0x80, $0x38;
	[tilespmem:$0x10400] =	vst v63  }
.Ltmp0:
0xb7: {  	(v2sf) =	vpush v63, $0xD;
	s17 =	sand.u32 $0x1FFFFFF0, s14;
	s18 =	spop (v2sf);
	(pc) =	sbr.rel @p1 .LBB2_3-.Ltmp0, $4  }
0xb8: {  	(v2sf) =	vpush v1, $0xE;
	s22 =	sadd.s32 s3, s17;
	s25 =	sand.u32 $0x1FFFFFF0, s18;
	s30 =	spop (v2sf)  }
0xb9: {  	(v2sf) =	vpush v63, $0xE;
	[tilespmem:s7], [sflag:$0x1] =	stream.linear.gather [hbm4b:s22+s1], $0x80, $0x38;
	[tilespmem:$0x10400] =	vst v63  }
0xba: {  	(v2sf) =	vpush v1, $0xF;
	s2 =	sadd.s32 s4, s25;
	s0 =	sand.u32 $0x1FFFFFF0, s30;
	s5 =	spop (v2sf)  }
0xbb: {  	(v2sf) =	vpush v63, $0xF;
	[tilespmem:s31], [sflag:$0x2] =	stream.linear.gather [hbm4b:s2+s1], $0x80, $0x38;
	[tilespmem:$0x10400] =	vst v63  }
0xbc: {  	_ =	sdelay $0x4  }
0xbd: {  	s0 =	sadd.s32 s3, s0;
	s2 =	sand.u32 $0x1FFFFFF0, s5  }
0xbe: {  	[tilespmem:s29], [sflag:$0x1] =	stream.linear.gather [hbm4b:s0+s1], $0x80, $0x38;
	[tilespmem:$0x10400] =	vst v63  }
0xbf: {  	s9 =	sadd.s32 s4, s2  }
0xc0: {  	[tilespmem:s8], [sflag:$0x2] =	stream.linear.gather [hbm4b:s9+s1], $0x80, $0x38;
	[tilespmem:$0x10400] =	vst v63  }
0xc1: {  	s7 =	spop (v2sf)  }
0xc2: {  	s11 =	sand.u32 $0x1FFFFFF0, s7;
	s13 =	spop (v2sf)  }
0xc3: {  	s14 =	sadd.s32 s3, s11;
	s15 =	sand.u32 $0x1FFFFFF0, s13;
	s16 =	spop (v2sf)  }
0xc4: {  	[tilespmem:s12], [sflag:$0x1] =	stream.linear.gather [hbm4b:s14+s1], $0x80, $0x38;
	[tilespmem:$0x10400] =	vst v63  }
0xc5: {  	s17 =	sadd.s32 s4, s15;
	s18 =	sand.u32 $0x1FFFFFF0, s16;
	s20 =	spop (v2sf)  }
0xc6: {  	[tilespmem:s10], [sflag:$0x2] =	stream.linear.gather [hbm4b:s17+s1], $0x80, $0x38;
	[tilespmem:$0x10400] =	vst v63  }
0xc7: {  	s21 =	sadd.s32 s3, s18;
	s22 =	sand.u32 $0x1FFFFFF0, s20;
	s23 =	spop (v2sf)  }
0xc8: {  	[tilespmem:s28], [sflag:$0x1] =	stream.linear.gather [hbm4b:s21+s1], $0x80, $0x38;
	[tilespmem:$0x10400] =	vst v63  }
0xc9: {  	s24 =	sadd.s32 s4, s22;
	s25 =	sand.u32 $0x1FFFFFF0, s23;
	s28 =	spop (v2sf)  }
0xca: {  	[tilespmem:s26], [sflag:$0x2] =	stream.linear.gather [hbm4b:s24+s1], $0x80, $0x38;
	[tilespmem:$0x10400] =	vst v63  }
0xcb: {  	s29 =	sadd.s32 $0xB80, s19;
	s2 =	sadd.s32 s3, s25;
	s5 =	sand.u32 $0x1FFFFFF0, s28  }
0xcc: {  	[tilespmem:s29], [sflag:$0x1] =	stream.linear.gather [hbm4b:s2+s1], $0x80, $0x38;
	[tilespmem:$0x10400] =	vst v63  }
0xcd: {  	s30 =	sadd.s32 $0x8B80, s19;
	s31 =	sadd.s32 s4, s5;
	s2 =	simm.s32 $0x1  }
0xce: {  	[tilespmem:s30], [sflag:$0x2] =	stream.linear.gather [hbm4b:s31+s1], $0x80, $0x38;
	[tilespmem:$0x10400] =	vst v63  }
0xcf: {  	_ =	swait.ge [sflag:s2], $0x80  }
0xd0: {  	[sflag:s2] =	ssyncset.done $0x0  }
0xd1: {  	s5 =	simm.s32 $0x2;
	[sflag:s2] =	ssyncadd.s32 $0xFFFFFF80  }
0xd2: {  	_ =	swait.ge [sflag:s5], $0x80  }
0xd3: {  	s0 =	simm.s32 $0xFF;
	[sflag:s5] =	ssyncset.done $0x0  }
.LBB2_5:
0xd4: {  	p1 =	sne.s32 s0, $0x1;
	s0 =	sadd.s32 $0xFFFFFFFF, s0;
	[sflag:s5] =	ssyncadd.s32 $0xFFFFFF80  }
.Ltmp1:
0xd5: {  	_ =	swait.ge [sflag:s2], $0x80;
	(pc) =	sbr.rel @p1 .LBB2_5-.Ltmp1, $4  }
0xd6: {  	[sflag:s2] =	ssyncset.done $0x0  }
0xd7: {  	[sflag:s2] =	ssyncadd.s32 $0xFFFFFF80  }
0xd8: {  	_ =	swait.ge [sflag:s5], $0x80  }
0xd9: {  	[sflag:s5] =	ssyncset.done $0x0  }
0xda: {  	s0 =	rddreg [dreg:$0x14]  }
0xdb: {  	s2 =	rddreg [dreg:$0x11];
	s0 =	sshll.u32 s0, $0xC  }
0xdc: {  	[sflag:s5] =	ssyncadd.s32 $0xFFFFFF80;
	s26 =	rddreg [dreg:$0xd];
	s0 =	sor.u32 s2, s0  }
0xdd: {  	s28 =	simm.s32 $0x400;
	s29 =	simm.s32 $0x3;
	s2 =	sadd.s32 s26, s0  }
0xde: {  	[hbm4b:s2+s1] =	stream.linear.scatter [tilespmem:s28], [sflag:$0x3], $0x8000, $0x38;
	[tilespmem:$0x10400] =	vst v63  }
0xdf: {  	_ =	swait.ge [sflag:s29], $0x8000  }
0xe0: {  	s31 =	simm.s32 $0x8400;
	[sflag:s29] =	ssyncset.done $0x0;
	s30 =	rddreg [dreg:$0xe]  }
.Ltmp2:
0xe1: {  	[sflag:s29] =	ssyncadd.s32 $0xFFFF8000;
	s0 =	sadd.s32 s30, s0;
	(pc) =	sbr.rel @p0 .LBB2_2-.Ltmp2, $4  }
0xe2: {  	[hbm4b:s0+s1] =	stream.linear.scatter [tilespmem:s31], [sflag:$0x3], $0x8000, $0x38;
	[tilespmem:$0x10400] =	vst v63  }
0xe3: {  	_ =	swait.ge [sflag:s29], $0x8000  }
0xe4: {  	[sflag:s29] =	ssyncset.done $0x0  }
0xe5: {  	p1 =	por $0x0, $0x0;
	s0 =	simm.s32 $0x1;
	[sflag:s29] =	ssyncadd.s32 $0xFFFF8000  }
0xe6: {  	s2 =	rddreg [dreg:$0x13]  }
0xe7: {  	s0 =	rddreg [dreg:$0x12];
	s2 =	sadd.s32 $0x1, s2  }
0xe8: {  	p0 =	sne.s32 s2, s0  }
.Ltmp3:
0xe9: {  	_ = 	snop;
	(pc) =	sbr.rel @p0 .LBB2_1-.Ltmp3, $1  }
0xea: {  	_ =	sdelay $0x3  }
0xeb: {  	_ =	sfence.sel $0x180000  }
0xec: {  	[bflag:$0x0] =	sbarrier.arrive $0xFFFF  }
0xed: {  	_ =	strace $0x90000047  }
0xee: {  	s0 =	stileid.u32;
	[bflag:$0x2] =	sbarrier.arrive $0xFFFF  }
0xef: {  	p0 =	sne.s32 s0, $0x0;
	s0 =	rddreg [dreg:$0x3]  }
0xf0: {  	s0 =	sadd.s32 @!p0 $0x100000, s0  }
0xf1: {  	[sflag:s0] =	ssyncadd.tile.s32 @!p0 $0x1;
	_ =	shalt  }
.Lfunc_end2:
_tile_overlayer_lowered:
.L_overlay_start_2:
0xf2: {  	(tag) =	ssettag $0x2  }
0xf3: {  	s0 =	rddreg [dreg:$0x0];
	s2 =	stileid.u32  }
0xf4: {  	s1 =	rddreg [dreg:$0x1];
	p0 =	sne.s32 s2, $0x0  }
0xf5: {  	s3 =	rddreg [dreg:$0x2];
	[bflag:$0x3] =	sbarrier.arrive $0xFFFF;
	s2 =	simm.s32 @!p0 $0x1C03  }
0xf6: {  	[timem:s3], [sflag:s2] =	dma.local @!p0 [hbm:s0], s1  }
0xf7: {  	s0 =	simm.s32 @!p0 $0x3  }
0xf8: {  	_ =	swait.ge @!p0 [sflag:s0], s1  }
0xf9: {  	s1 =	ssub.s32 @!p0 $0x0, s1;
	[sflag:s0] =	ssyncset.done @!p0 $0x0  }
0xfa: {  	[sflag:s0] =	ssyncadd.s32 @!p0 s1  }
0xfb: {  	[bflag:$0x3] =	sbarrier.arrive $0xFFFF  }
0xfc: {  	_ =	shalt  }

</sc_bundles>
